<compile_context>
chip_gen: v7x
topology: tpu7x:2x2x1
jax: 0.10.2.dev20260603
libtpu: 0.0.44.dev20260713+nightly
codegen_flags: <defaults>
</compile_context>

<pallas_src>
import functools

import jax
import jax.numpy as jnp
from jax import lax
from jax.experimental import pallas as pl
from jax.experimental.pallas import tpu as pltpu
from jax.experimental.pallas import tpu_sc as plsc

N = 10000
E = 320000
NP = 10240
NC = 2
NS = 16
NW = NC * NS
B = 128
NB0 = 79
NB1 = 79
RPT = NP // NS

_mesh = functools.partial(
    plsc.VectorSubcoreMesh, core_axis_name="c", subcore_axis_name="s")



def _deg_body(dst_hbm, ones_hbm, z_hbm, out_hbm, dst_v, ones_v, acc):
    c = lax.axis_index("c")
    s = lax.axis_index("s")
    w = c * NS + s
    pltpu.sync_copy(dst_hbm.at[w], dst_v)
    pltpu.sync_copy(ones_hbm, ones_v)
    pltpu.sync_copy(z_hbm, acc.at[pl.ds(s * RPT, RPT)])
    plsc.subcore_barrier()
    def step(b, carry):
        pltpu.sync_copy(ones_v, acc.at[dst_v.at[b]], add=True)
        return carry
    lax.fori_loop(0, NB1, step, 0)
    plsc.subcore_barrier()
    pltpu.sync_copy(acc.at[pl.ds(s * RPT, RPT)],
                    out_hbm.at[c, pl.ds(s * RPT, RPT)])


def _sc_degree(dst3, ones128, z128):
    return pl.kernel(
        _deg_body,
        out_type=jax.ShapeDtypeStruct((NC, NP, 128), jnp.float32),
        mesh=_mesh(),
        scratch_types=[
            pltpu.VMEM((NB1, B), jnp.int32),
            pltpu.VMEM((B, 128), jnp.float32),
            pltpu.VMEM_SHARED((NP, 128), jnp.float32),
        ],
    )(dst3, ones128, z128)


def _agg_body(nslabs, *refs):
    xs = refs[:nslabs]
    src_hbm, dst_hbm, z_hbm = refs[nslabs:nslabs + 3]
    outs = refs[nslabs + 3:2 * nslabs + 3]
    src_v, dst_v, rows_v, acc, sem = refs[2 * nslabs + 3:]
    c = lax.axis_index("c")
    s = lax.axis_index("s")
    w = c * NS + s
    pltpu.sync_copy(src_hbm.at[w], src_v)
    pltpu.sync_copy(dst_hbm.at[w], dst_v)
    for j in range(nslabs):
        pltpu.sync_copy(z_hbm, acc.at[pl.ds(s * RPT, RPT)])
        plsc.subcore_barrier()
        def step(b, carry, j=j):
            pltpu.async_copy(xs[j].at[src_v.at[b]], rows_v, sem).wait()
            pltpu.sync_copy(rows_v, acc.at[dst_v.at[b]], add=True)
            return carry
        lax.fori_loop(0, NB1, step, 0)
        plsc.subcore_barrier()
        pltpu.sync_copy(acc.at[pl.ds(s * RPT, RPT)],
                        outs[j].at[c, pl.ds(s * RPT, RPT)])
        plsc.subcore_barrier()


def _sc_aggregate(slabs, src3, dst3, z128):
    k = len(slabs)
    return pl.kernel(
        functools.partial(_agg_body, k),
        out_type=[jax.ShapeDtypeStruct((NC, NP, 128), jnp.float32)] * k,
        mesh=_mesh(),
        scratch_types=[
            pltpu.VMEM((NB1, B), jnp.int32),
            pltpu.VMEM((NB1, B), jnp.int32),
            pltpu.VMEM((B, 128), jnp.float32),
            pltpu.VMEM_SHARED((NP, 128), jnp.float32),
            pltpu.SemaphoreType.DMA,
        ],
    )(*slabs, src3, dst3, z128)



def _prep_body(degp, x, xs_o, dinv_o):
    deg = degp[0] + degp[1] + 1.0
    dinv = lax.rsqrt(deg)[:, 0:1]
    xs_o[...] = x[...] * dinv
    dinv_o[...] = jnp.broadcast_to(dinv, dinv_o.shape)


def _tc_prep(degp, xp, rb=512):
    grid = (NP // rb,)
    return pl.pallas_call(
        _prep_body,
        grid=grid,
        in_specs=[
            pl.BlockSpec((NC, rb, 128), lambda i: (0, i, 0)),
            pl.BlockSpec((rb, 128), lambda i: (i, 0)),
        ],
        out_specs=[
            pl.BlockSpec((rb, 128), lambda i: (i, 0)),
            pl.BlockSpec((rb, 128), lambda i: (i, 0)),
        ],
        out_shape=[
            jax.ShapeDtypeStruct((NP, 128), jnp.float32),
            jax.ShapeDtypeStruct((NP, 128), jnp.float32),
        ],
    )(degp, xp)


def _l12_body(s1p, xs, dinvb, w1, b1, w2, o0, o1, o2, o3):
    dinv = dinvb[...][:, 0:1]
    agg0 = dinvb[...] * (s1p[0] + s1p[1] + xs[...])
    h1 = jnp.maximum(jnp.dot(agg0, w1[...],
                             preferred_element_type=jnp.float32) + b1[...], 0.0)
    t2 = jnp.dot(h1, w2[...], preferred_element_type=jnp.float32) * dinv
    o0[...] = t2[:, 0:128]
    o1[...] = t2[:, 128:256]
    o2[...] = t2[:, 256:384]
    o3[...] = t2[:, 384:512]


def _tc_layers12(s1p, xs, dinvb, w1, b1r, w2, rb=256):
    grid = (NP // rb,)
    return pl.pallas_call(
        _l12_body,
        grid=grid,
        in_specs=[
            pl.BlockSpec((NC, rb, 128), lambda i: (0, i, 0)),
            pl.BlockSpec((rb, 128), lambda i: (i, 0)),
            pl.BlockSpec((rb, 128), lambda i: (i, 0)),
            pl.BlockSpec((128, 1024), lambda i: (0, 0)),
            pl.BlockSpec((1, 1024), lambda i: (0, 0)),
            pl.BlockSpec((1024, 512), lambda i: (0, 0)),
        ],
        out_specs=[pl.BlockSpec((rb, 128), lambda i: (i, 0))] * 4,
        out_shape=[jax.ShapeDtypeStruct((NP, 128), jnp.float32)] * 4,
    )(s1p, xs, dinvb, w1, b1r, w2)


def _l3_body(p0, p1, p2, p3, t0, t1, t2, t3, dinvb, b2, w3, o):
    dinv = dinvb[...][:, 0:1]
    cols = [p0[0] + p0[1] + t0[...], p1[0] + p1[1] + t1[...],
            p2[0] + p2[1] + t2[...], p3[0] + p3[1] + t3[...]]
    s2 = jnp.concatenate(cols, axis=1)
    h2 = jnp.maximum(dinv * s2 + b2[...], 0.0)
    o[...] = jnp.dot(h2, w3[...], preferred_element_type=jnp.float32) * dinv


def _tc_layer3(s2ps, t2s, dinvb, b2r, w3, rb=256):
    grid = (NP // rb,)
    return pl.pallas_call(
        _l3_body,
        grid=grid,
        in_specs=(
            [pl.BlockSpec((NC, rb, 128), lambda i: (0, i, 0))] * 4
            + [pl.BlockSpec((rb, 128), lambda i: (i, 0))] * 4
            + [
                pl.BlockSpec((rb, 128), lambda i: (i, 0)),
                pl.BlockSpec((1, 512), lambda i: (0, 0)),
                pl.BlockSpec((512, 128), lambda i: (0, 0)),
            ]
        ),
        out_specs=pl.BlockSpec((rb, 128), lambda i: (i, 0)),
        out_shape=jax.ShapeDtypeStruct((NP, 128), jnp.float32),
    )(*s2ps, *t2s, dinvb, b2r, w3)


def _l4_body(s3p, t3s, dinvb, b3, wfc, bfc, o):
    dinv = dinvb[...][:, 0:1]
    h3 = jnp.maximum(dinv * (s3p[0] + s3p[1] + t3s[...]) + b3[...], 0.0)
    z = jnp.dot(h3, wfc[...], preferred_element_type=jnp.float32) + bfc[...]
    m = jnp.max(z, axis=1, keepdims=True)
    lse = m + jnp.log(jnp.sum(jnp.exp(z - m), axis=1, keepdims=True))
    o[...] = z - lse


def _tc_layer4(s3p, t3s, dinvb, b3r, wfc, bfcr, rb=256):
    grid = (NP // rb,)
    return pl.pallas_call(
        _l4_body,
        grid=grid,
        in_specs=[
            pl.BlockSpec((NC, rb, 128), lambda i: (0, i, 0)),
            pl.BlockSpec((rb, 128), lambda i: (i, 0)),
            pl.BlockSpec((rb, 128), lambda i: (i, 0)),
            pl.BlockSpec((1, 128), lambda i: (0, 0)),
            pl.BlockSpec((128, 64), lambda i: (0, 0)),
            pl.BlockSpec((1, 64), lambda i: (0, 0)),
        ],
        out_specs=pl.BlockSpec((rb, 64), lambda i: (i, 0)),
        out_shape=jax.ShapeDtypeStruct((NP, 64), jnp.float32),
    )(s3p, t3s, dinvb, b3r, wfc, bfcr)



def kernel(x, edge_index, W1, b1, W2, b2, W3, b3, Wfc, bfc):
    xp = jnp.pad(x, ((0, NP - N), (0, 0)))

    tot = NS * (NB0 + NB1) * B

    def pack(e):
        flat = jnp.concatenate(
            [e, jnp.full((tot - E,), N, dtype=jnp.int32)])
        p0 = flat[:NS * NB0 * B].reshape(NS, NB0, B)
        p0 = jnp.pad(p0, ((0, 0), (0, NB1 - NB0), (0, 0)),
                     constant_values=N)
        p1 = flat[NS * NB0 * B:].reshape(NS, NB1, B)
        return jnp.concatenate([p0, p1], axis=0)

    src3 = pack(edge_index[0])
    dst3 = pack(edge_index[1])
    z128 = jnp.zeros((RPT, 128), jnp.float32)
    ones128 = jnp.ones((B, 128), jnp.float32)
    b1r = b1.reshape(1, 1024)
    b2r = b2.reshape(1, 512)
    b3r = b3.reshape(1, 128)
    bfcr = bfc.reshape(1, 64)

    degp = _sc_degree(dst3, ones128, z128)
    xs, dinvb = _tc_prep(degp, xp)
    (s1p,) = _sc_aggregate([xs], src3, dst3, z128)
    t2s = _tc_layers12(s1p, xs, dinvb, W1, b1r, W2)
    s2ps = _sc_aggregate(list(t2s), src3, dst3, z128)
    t3s = _tc_layer3(s2ps, t2s, dinvb, b2r, W3)
    (s3p,) = _sc_aggregate([t3s], src3, dst3, z128)
    out = _tc_layer4(s3p, t3s, dinvb, b3r, Wfc, bfcr)
    return out[:N]

# --- scband reference (transcript-rebuilt; emitter-appended) ---
"""Pipeline reference for scband-graph-cnn-83889301225993 (READ-ONLY COPY).

The authoritative reference and input builder live on the scoring server;
editing this copy changes nothing except your own understanding.
"""

import jax, jax.numpy as jnp
import numpy as np

N = 10000
E = 320000
D_IN = 128
D_OUT = 64


def setup_inputs(seed: int = 0) -> dict:
    key = jax.random.key(seed)
    ks = jax.random.split(key, 12)
    x = jax.random.normal(ks[0], (N, D_IN), dtype=jnp.float32)
    edge_index = jax.random.randint(ks[1], (2, E), 0, N, dtype=jnp.int32)
    def lin(k, fi, fo):
        return jax.random.normal(k, (fi, fo), dtype=jnp.float32) / jnp.sqrt(float(fi))
    W1 = lin(ks[2], D_IN, 1024)
    b1 = jnp.zeros((1024,), dtype=jnp.float32)
    W2 = lin(ks[3], 1024, 512)
    b2 = jnp.zeros((512,), dtype=jnp.float32)
    W3 = lin(ks[4], 512, 128)
    b3 = jnp.zeros((128,), dtype=jnp.float32)
    Wfc = lin(ks[5], 128, D_OUT)
    bfc = jnp.zeros((D_OUT,), dtype=jnp.float32)
    return {"x": x, "edge_index": edge_index, "W1": W1, "b1": b1, "W2": W2, "b2": b2, "W3": W3, "b3": b3, "Wfc": Wfc, "bfc": bfc}


def _gcn_layer(h, src, dst, norm, W, b, n):
    h = h @ W
    msg = h[src] * norm[:, None]
    agg = jax.ops.segment_sum(msg, dst, num_segments=n)
    return agg + b


def reference(x, edge_index, W1, b1, W2, b2, W3, b3, Wfc, bfc):
    n = x.shape[0]
    loop = jnp.arange(n, dtype=edge_index.dtype)
    src = jnp.concatenate([edge_index[0], loop])
    dst = jnp.concatenate([edge_index[1], loop])
    deg = jnp.zeros((n,), dtype=x.dtype).at[dst].add(1.0)
    dinv = jnp.where(deg > 0, 1.0 / jnp.sqrt(deg), 0.0)
    norm = dinv[src] * dinv[dst]
    h = jax.nn.relu(_gcn_layer(x, src, dst, norm, W1, b1, n))
    # dropout is identity in eval mode (training=False)
    h = jax.nn.relu(_gcn_layer(h, src, dst, norm, W2, b2, n))
    h = jax.nn.relu(_gcn_layer(h, src, dst, norm, W3, b3, n))
    out = h @ Wfc + bfc
    return jax.nn.log_softmax(out, axis=1)

if __name__ == "__main__":
    import jax
    _d = setup_inputs()
    print(jax.jit(kernel)(*tuple(_d.values())))

</pallas_src>

<mosaic_0001>
#map = affine_map<(d0, d1) -> (0, 0, 0)>
#map1 = affine_map<(d0, d1) -> (0, 0)>
module attributes {stable_mosaic.version = 14 : i64} {
  func.func @_deg_body(%arg0: i32, %arg1: i32, %arg2: memref<32x79x128xi32, #tpu.memory_space<hbm>>, %arg3: memref<128x128xf32, #tpu.memory_space<hbm>>, %arg4: memref<640x128xf32, #tpu.memory_space<hbm>>, %arg5: memref<2x10240x128xf32, #tpu.memory_space<hbm>>, %arg6: memref<79x128xi32, #tpu.memory_space<vmem>>, %arg7: memref<128x128xf32, #tpu.memory_space<vmem>>, %arg8: memref<10240x128xf32, #tpu.memory_space<vmem_shared>>) attributes {dimension_semantics = [#tpu.dimension_semantics<core_parallel>, #tpu.dimension_semantics<subcore_parallel>], iteration_bounds = array<i64: 2, 16>, scalar_prefetch = 0 : i64, scratch_operands = 3 : i64, tpu.core_type = #tpu.core_type<sc_vector_subcore>, window_params = [{transform_indices = #map}, {transform_indices = #map1}, {transform_indices = #map1}, {transform_indices = #map}]} {
    %mul3A = arith.constant 16 : i32
    %mul3A_0 = arith.muli %arg0, %mul3A : i32
    %add3A = arith.addi %mul3A_0, %arg1 : i32
    "tpu.region"() ({
      %run_scoped3A = tpu.sem_alloc : memref<!tpu.dma_semaphore, #tpu.memory_space<semaphore_mem>>
      %dma_start3A = arith.constant 0 : i32
      %dma_start3A_13 = arith.constant 0 : i32
      %dma_start3A_14 = tpu.memref_slice %arg2[%add3A, %dma_start3A, %dma_start3A_13] : memref<32x79x128xi32, #tpu.memory_space<hbm>> -> memref<1x79x128xi32, #tpu.memory_space<hbm>>
      %dma_start3A_15 = tpu.memref_squeeze %dma_start3A_14 : memref<1x79x128xi32, #tpu.memory_space<hbm>> -> memref<79x128xi32, #tpu.memory_space<hbm>>
      %dma_start3A_16 = arith.constant 0 : i32
      %dma_start3A_17 = arith.constant 0 : i32
      %dma_start3A_18 = tpu.memref_slice %arg2[%add3A, %dma_start3A_16, %dma_start3A_17] : memref<32x79x128xi32, #tpu.memory_space<hbm>> -> memref<1x79x128xi32, #tpu.memory_space<hbm>>
      %dma_start3A_19 = tpu.memref_squeeze %dma_start3A_18 : memref<1x79x128xi32, #tpu.memory_space<hbm>> -> memref<79x128xi32, #tpu.memory_space<hbm>>
      tpu.enqueue_dma source(%dma_start3A_19 : memref<79x128xi32, #tpu.memory_space<hbm>>) target(%arg6 : memref<79x128xi32, #tpu.memory_space<vmem>>) target_semaphore(%run_scoped3A : memref<!tpu.dma_semaphore, #tpu.memory_space<semaphore_mem>>)
      %dma_wait3A = arith.constant 0 : i32
      %dma_wait3A_20 = arith.constant 0 : i32
      %dma_wait3A_21 = tpu.memref_slice %arg2[%add3A, %dma_wait3A, %dma_wait3A_20] : memref<32x79x128xi32, #tpu.memory_space<hbm>> -> memref<1x79x128xi32, #tpu.memory_space<hbm>>
      %dma_wait3A_22 = tpu.memref_squeeze %dma_wait3A_21 : memref<1x79x128xi32, #tpu.memory_space<hbm>> -> memref<79x128xi32, #tpu.memory_space<hbm>>
      %dma_wait3A_23 = arith.constant 0 : i32
      %dma_wait3A_24 = arith.constant 0 : i32
      %dma_wait3A_25 = tpu.memref_slice %arg2[%add3A, %dma_wait3A_23, %dma_wait3A_24] : memref<32x79x128xi32, #tpu.memory_space<hbm>> -> memref<1x79x128xi32, #tpu.memory_space<hbm>>
      %dma_wait3A_26 = tpu.memref_squeeze %dma_wait3A_25 : memref<1x79x128xi32, #tpu.memory_space<hbm>> -> memref<79x128xi32, #tpu.memory_space<hbm>>
      tpu.wait_dma2 semaphore(%run_scoped3A : memref<!tpu.dma_semaphore, #tpu.memory_space<semaphore_mem>>) src(%dma_wait3A_26 : memref<79x128xi32, #tpu.memory_space<hbm>>) dst(%arg6 : memref<79x128xi32, #tpu.memory_space<vmem>>)
      tpu.yield
    }) : () -> ()
    "tpu.region"() ({
      %run_scoped3A = tpu.sem_alloc : memref<!tpu.dma_semaphore, #tpu.memory_space<semaphore_mem>>
      tpu.enqueue_dma source(%arg3 : memref<128x128xf32, #tpu.memory_space<hbm>>) target(%arg7 : memref<128x128xf32, #tpu.memory_space<vmem>>) target_semaphore(%run_scoped3A : memref<!tpu.dma_semaphore, #tpu.memory_space<semaphore_mem>>)
      tpu.wait_dma2 semaphore(%run_scoped3A : memref<!tpu.dma_semaphore, #tpu.memory_space<semaphore_mem>>) src(%arg3 : memref<128x128xf32, #tpu.memory_space<hbm>>) dst(%arg7 : memref<128x128xf32, #tpu.memory_space<vmem>>)
      tpu.yield
    }) : () -> ()
    %mul3A_1 = arith.constant 640 : i32
    %mul3A_2 = arith.muli %arg1, %mul3A_1 : i32
    "tpu.region"() ({
      %run_scoped3A = tpu.sem_alloc : memref<!tpu.dma_semaphore, #tpu.memory_space<semaphore_mem>>
      %dma_start3A = arith.constant 0 : i32
      %dma_start3A_13 = tpu.memref_slice %arg8[%mul3A_2, %dma_start3A] : memref<10240x128xf32, #tpu.memory_space<vmem_shared>> -> memref<640x128xf32, #tpu.memory_space<vmem_shared>>
      tpu.enqueue_dma source(%arg4 : memref<640x128xf32, #tpu.memory_space<hbm>>) target(%dma_start3A_13 : memref<640x128xf32, #tpu.memory_space<vmem_shared>>) target_semaphore(%run_scoped3A : memref<!tpu.dma_semaphore, #tpu.memory_space<semaphore_mem>>)
      %dma_wait3A = arith.constant 0 : i32
      %dma_wait3A_14 = tpu.memref_slice %arg8[%mul3A_2, %dma_wait3A] : memref<10240x128xf32, #tpu.memory_space<vmem_shared>> -> memref<640x128xf32, #tpu.memory_space<vmem_shared>>
      tpu.wait_dma2 semaphore(%run_scoped3A : memref<!tpu.dma_semaphore, #tpu.memory_space<semaphore_mem>>) src(%arg4 : memref<640x128xf32, #tpu.memory_space<hbm>>) dst(%dma_wait3A_14 : memref<640x128xf32, #tpu.memory_space<vmem_shared>>)
      tpu.yield
    }) : () -> ()
    %barrier3A = arith.constant 0 : index
    tpu.barrier barrier_id(%barrier3A)
    %scan3A = arith.constant 0 : i32
    %scan3A_3 = arith.constant 0 : i32
    %scan3A_4 = arith.constant 79 : i32
    %scan3A_5 = arith.addi %scan3A_3, %scan3A_4 : i32
    %scan3A_6 = arith.constant 1 : i32
    scf.for %scan3A_13 = %scan3A_3 to %scan3A_5 step %scan3A_6  : i32 {
      "tpu.region"() ({
        %run_scoped3A = tpu.sem_alloc : memref<!tpu.dma_semaphore, #tpu.memory_space<semaphore_mem>>
        %dma_start3A = arith.constant 0 : i32
        %dma_start3A_14 = tpu.memref_slice %arg6[%scan3A_13, %dma_start3A] : memref<79x128xi32, #tpu.memory_space<vmem>> -> memref<1x128xi32, #tpu.memory_space<vmem>>
        %dma_start3A_15 = tpu.memref_squeeze %dma_start3A_14 : memref<1x128xi32, #tpu.memory_space<vmem>> -> memref<128xi32, #tpu.memory_space<vmem>>
        %dma_start3A_16 = arith.constant 0 : i32
        %dma_start3A_17 = arith.constant 0 : i32
        %dma_start3A_18 = tpu.memref_slice %arg8[%dma_start3A_16, %dma_start3A_17] : memref<10240x128xf32, #tpu.memory_space<vmem_shared>> -> memref<10240x128xf32, #tpu.memory_space<vmem_shared>>
        tpu.enqueue_indirect_dma source(%arg7 : memref<128x128xf32, #tpu.memory_space<vmem>>) target(%dma_start3A_18 : memref<10240x128xf32, #tpu.memory_space<vmem_shared>>) offsets(%dma_start3A_15 : memref<128xi32, #tpu.memory_space<vmem>>) semaphore(%run_scoped3A : memref<!tpu.dma_semaphore, #tpu.memory_space<semaphore_mem>>) {add = true}
        %dma_wait3A = arith.constant 0 : i32
        %dma_wait3A_19 = tpu.memref_slice %arg6[%scan3A_13, %dma_wait3A] : memref<79x128xi32, #tpu.memory_space<vmem>> -> memref<1x128xi32, #tpu.memory_space<vmem>>
        %dma_wait3A_20 = tpu.memref_squeeze %dma_wait3A_19 : memref<1x128xi32, #tpu.memory_space<vmem>> -> memref<128xi32, #tpu.memory_space<vmem>>
        %dma_wait3A_21 = arith.constant 0 : i32
        %dma_wait3A_22 = arith.constant 0 : i32
        %dma_wait3A_23 = tpu.memref_slice %arg8[%dma_wait3A_21, %dma_wait3A_22] : memref<10240x128xf32, #tpu.memory_space<vmem_shared>> -> memref<10240x128xf32, #tpu.memory_space<vmem_shared>>
        tpu.wait_indirect_dma semaphore(%run_scoped3A : memref<!tpu.dma_semaphore, #tpu.memory_space<semaphore_mem>>) src(%arg7 : memref<128x128xf32, #tpu.memory_space<vmem>>) dst(%dma_wait3A_23 : memref<10240x128xf32, #tpu.memory_space<vmem_shared>>)
        tpu.yield
      }) : () -> ()
    }
    %scan3A_7 = arith.constant 79 : i32
    %barrier3A_8 = arith.constant 0 : index
    tpu.barrier barrier_id(%barrier3A_8)
    %mul3A_9 = arith.constant 640 : i32
    %mul3A_10 = arith.muli %arg1, %mul3A_9 : i32
    %mul3A_11 = arith.constant 640 : i32
    %mul3A_12 = arith.muli %arg1, %mul3A_11 : i32
    "tpu.region"() ({
      %run_scoped3A = tpu.sem_alloc : memref<!tpu.dma_semaphore, #tpu.memory_space<semaphore_mem>>
      %dma_start3A = arith.constant 0 : i32
      %dma_start3A_13 = tpu.memref_slice %arg5[%arg0, %mul3A_12, %dma_start3A] : memref<2x10240x128xf32, #tpu.memory_space<hbm>> -> memref<1x640x128xf32, #tpu.memory_space<hbm>>
      %dma_start3A_14 = tpu.memref_squeeze %dma_start3A_13 : memref<1x640x128xf32, #tpu.memory_space<hbm>> -> memref<640x128xf32, #tpu.memory_space<hbm>>
      %dma_start3A_15 = arith.constant 0 : i32
      %dma_start3A_16 = tpu.memref_slice %arg8[%mul3A_10, %dma_start3A_15] : memref<10240x128xf32, #tpu.memory_space<vmem_shared>> -> memref<640x128xf32, #tpu.memory_space<vmem_shared>>
      tpu.enqueue_dma source(%dma_start3A_16 : memref<640x128xf32, #tpu.memory_space<vmem_shared>>) target(%dma_start3A_14 : memref<640x128xf32, #tpu.memory_space<hbm>>) target_semaphore(%run_scoped3A : memref<!tpu.dma_semaphore, #tpu.memory_space<semaphore_mem>>)
      %dma_wait3A = arith.constant 0 : i32
      %dma_wait3A_17 = tpu.memref_slice %arg5[%arg0, %mul3A_12, %dma_wait3A] : memref<2x10240x128xf32, #tpu.memory_space<hbm>> -> memref<1x640x128xf32, #tpu.memory_space<hbm>>
      %dma_wait3A_18 = tpu.memref_squeeze %dma_wait3A_17 : memref<1x640x128xf32, #tpu.memory_space<hbm>> -> memref<640x128xf32, #tpu.memory_space<hbm>>
      %dma_wait3A_19 = arith.constant 0 : i32
      %dma_wait3A_20 = tpu.memref_slice %arg8[%mul3A_10, %dma_wait3A_19] : memref<10240x128xf32, #tpu.memory_space<vmem_shared>> -> memref<640x128xf32, #tpu.memory_space<vmem_shared>>
      tpu.wait_dma2 semaphore(%run_scoped3A : memref<!tpu.dma_semaphore, #tpu.memory_space<semaphore_mem>>) src(%dma_wait3A_20 : memref<640x128xf32, #tpu.memory_space<vmem_shared>>) dst(%dma_wait3A_18 : memref<640x128xf32, #tpu.memory_space<hbm>>)
      tpu.yield
    }) : () -> ()
    return
  }
}

#map = affine_map<(d0, d1) -> (0, 0)>
#map1 = affine_map<(d0, d1) -> (0, 0, 0)>
module attributes {stable_mosaic.version = 14 : i64} {
  func.func @_agg_body(%arg0: i32, %arg1: i32, %arg2: memref<10240x128xf32, #tpu.memory_space<hbm>>, %arg3: memref<10240x128xf32, #tpu.memory_space<hbm>>, %arg4: memref<10240x128xf32, #tpu.memory_space<hbm>>, %arg5: memref<10240x128xf32, #tpu.memory_space<hbm>>, %arg6: memref<32x79x128xi32, #tpu.memory_space<hbm>>, %arg7: memref<32x79x128xi32, #tpu.memory_space<hbm>>, %arg8: memref<640x128xf32, #tpu.memory_space<hbm>>, %arg9: memref<2x10240x128xf32, #tpu.memory_space<hbm>>, %arg10: memref<2x10240x128xf32, #tpu.memory_space<hbm>>, %arg11: memref<2x10240x128xf32, #tpu.memory_space<hbm>>, %arg12: memref<2x10240x128xf32, #tpu.memory_space<hbm>>, %arg13: memref<79x128xi32, #tpu.memory_space<vmem>>, %arg14: memref<79x128xi32, #tpu.memory_space<vmem>>, %arg15: memref<128x128xf32, #tpu.memory_space<vmem>>, %arg16: memref<10240x128xf32, #tpu.memory_space<vmem_shared>>, %arg17: memref<!tpu.dma_semaphore, #tpu.memory_space<semaphore_mem>>) attributes {dimension_semantics = [#tpu.dimension_semantics<core_parallel>, #tpu.dimension_semantics<subcore_parallel>], iteration_bounds = array<i64: 2, 16>, scalar_prefetch = 0 : i64, scratch_operands = 5 : i64, tpu.core_type = #tpu.core_type<sc_vector_subcore>, window_params = [{transform_indices = #map}, {transform_indices = #map}, {transform_indices = #map}, {transform_indices = #map}, {transform_indices = #map1}, {transform_indices = #map1}, {transform_indices = #map}, {transform_indices = #map1}, {transform_indices = #map1}, {transform_indices = #map1}, {transform_indices = #map1}]} {
    %mul3A = arith.constant 16 : i32
    %mul3A_0 = arith.muli %arg0, %mul3A : i32
    %add3A = arith.addi %mul3A_0, %arg1 : i32
    "tpu.region"() ({
      %run_scoped3A = tpu.sem_alloc : memref<!tpu.dma_semaphore, #tpu.memory_space<semaphore_mem>>
      %dma_start3A = arith.constant 0 : i32
      %dma_start3A_59 = arith.constant 0 : i32
      %dma_start3A_60 = tpu.memref_slice %arg6[%add3A, %dma_start3A, %dma_start3A_59] : memref<32x79x128xi32, #tpu.memory_space<hbm>> -> memref<1x79x128xi32, #tpu.memory_space<hbm>>
      %dma_start3A_61 = tpu.memref_squeeze %dma_start3A_60 : memref<1x79x128xi32, #tpu.memory_space<hbm>> -> memref<79x128xi32, #tpu.memory_space<hbm>>
      %dma_start3A_62 = arith.constant 0 : i32
      %dma_start3A_63 = arith.constant 0 : i32
      %dma_start3A_64 = tpu.memref_slice %arg6[%add3A, %dma_start3A_62, %dma_start3A_63] : memref<32x79x128xi32, #tpu.memory_space<hbm>> -> memref<1x79x128xi32, #tpu.memory_space<hbm>>
      %dma_start3A_65 = tpu.memref_squeeze %dma_start3A_64 : memref<1x79x128xi32, #tpu.memory_space<hbm>> -> memref<79x128xi32, #tpu.memory_space<hbm>>
      tpu.enqueue_dma source(%dma_start3A_65 : memref<79x128xi32, #tpu.memory_space<hbm>>) target(%arg13 : memref<79x128xi32, #tpu.memory_space<vmem>>) target_semaphore(%run_scoped3A : memref<!tpu.dma_semaphore, #tpu.memory_space<semaphore_mem>>)
      %dma_wait3A = arith.constant 0 : i32
      %dma_wait3A_66 = arith.constant 0 : i32
      %dma_wait3A_67 = tpu.memref_slice %arg6[%add3A, %dma_wait3A, %dma_wait3A_66] : memref<32x79x128xi32, #tpu.memory_space<hbm>> -> memref<1x79x128xi32, #tpu.memory_space<hbm>>
      %dma_wait3A_68 = tpu.memref_squeeze %dma_wait3A_67 : memref<1x79x128xi32, #tpu.memory_space<hbm>> -> memref<79x128xi32, #tpu.memory_space<hbm>>
      %dma_wait3A_69 = arith.constant 0 : i32
      %dma_wait3A_70 = arith.constant 0 : i32
      %dma_wait3A_71 = tpu.memref_slice %arg6[%add3A, %dma_wait3A_69, %dma_wait3A_70] : memref<32x79x128xi32, #tpu.memory_space<hbm>> -> memref<1x79x128xi32, #tpu.memory_space<hbm>>
      %dma_wait3A_72 = tpu.memref_squeeze %dma_wait3A_71 : memref<1x79x128xi32, #tpu.memory_space<hbm>> -> memref<79x128xi32, #tpu.memory_space<hbm>>
      tpu.wait_dma2 semaphore(%run_scoped3A : memref<!tpu.dma_semaphore, #tpu.memory_space<semaphore_mem>>) src(%dma_wait3A_72 : memref<79x128xi32, #tpu.memory_space<hbm>>) dst(%arg13 : memref<79x128xi32, #tpu.memory_space<vmem>>)
      tpu.yield
    }) : () -> ()
    "tpu.region"() ({
      %run_scoped3A = tpu.sem_alloc : memref<!tpu.dma_semaphore, #tpu.memory_space<semaphore_mem>>
      %dma_start3A = arith.constant 0 : i32
      %dma_start3A_59 = arith.constant 0 : i32
      %dma_start3A_60 = tpu.memref_slice %arg7[%add3A, %dma_start3A, %dma_start3A_59] : memref<32x79x128xi32, #tpu.memory_space<hbm>> -> memref<1x79x128xi32, #tpu.memory_space<hbm>>
      %dma_start3A_61 = tpu.memref_squeeze %dma_start3A_60 : memref<1x79x128xi32, #tpu.memory_space<hbm>> -> memref<79x128xi32, #tpu.memory_space<hbm>>
      %dma_start3A_62 = arith.constant 0 : i32
      %dma_start3A_63 = arith.constant 0 : i32
      %dma_start3A_64 = tpu.memref_slice %arg7[%add3A, %dma_start3A_62, %dma_start3A_63] : memref<32x79x128xi32, #tpu.memory_space<hbm>> -> memref<1x79x128xi32, #tpu.memory_space<hbm>>
      %dma_start3A_65 = tpu.memref_squeeze %dma_start3A_64 : memref<1x79x128xi32, #tpu.memory_space<hbm>> -> memref<79x128xi32, #tpu.memory_space<hbm>>
      tpu.enqueue_dma source(%dma_start3A_65 : memref<79x128xi32, #tpu.memory_space<hbm>>) target(%arg14 : memref<79x128xi32, #tpu.memory_space<vmem>>) target_semaphore(%run_scoped3A : memref<!tpu.dma_semaphore, #tpu.memory_space<semaphore_mem>>)
      %dma_wait3A = arith.constant 0 : i32
      %dma_wait3A_66 = arith.constant 0 : i32
      %dma_wait3A_67 = tpu.memref_slice %arg7[%add3A, %dma_wait3A, %dma_wait3A_66] : memref<32x79x128xi32, #tpu.memory_space<hbm>> -> memref<1x79x128xi32, #tpu.memory_space<hbm>>
      %dma_wait3A_68 = tpu.memref_squeeze %dma_wait3A_67 : memref<1x79x128xi32, #tpu.memory_space<hbm>> -> memref<79x128xi32, #tpu.memory_space<hbm>>
      %dma_wait3A_69 = arith.constant 0 : i32
      %dma_wait3A_70 = arith.constant 0 : i32
      %dma_wait3A_71 = tpu.memref_slice %arg7[%add3A, %dma_wait3A_69, %dma_wait3A_70] : memref<32x79x128xi32, #tpu.memory_space<hbm>> -> memref<1x79x128xi32, #tpu.memory_space<hbm>>
      %dma_wait3A_72 = tpu.memref_squeeze %dma_wait3A_71 : memref<1x79x128xi32, #tpu.memory_space<hbm>> -> memref<79x128xi32, #tpu.memory_space<hbm>>
      tpu.wait_dma2 semaphore(%run_scoped3A : memref<!tpu.dma_semaphore, #tpu.memory_space<semaphore_mem>>) src(%dma_wait3A_72 : memref<79x128xi32, #tpu.memory_space<hbm>>) dst(%arg14 : memref<79x128xi32, #tpu.memory_space<vmem>>)
      tpu.yield
    }) : () -> ()
    %mul3A_1 = arith.constant 640 : i32
    %mul3A_2 = arith.muli %arg1, %mul3A_1 : i32
    "tpu.region"() ({
      %run_scoped3A = tpu.sem_alloc : memref<!tpu.dma_semaphore, #tpu.memory_space<semaphore_mem>>
      %dma_start3A = arith.constant 0 : i32
      %dma_start3A_59 = tpu.memref_slice %arg16[%mul3A_2, %dma_start3A] : memref<10240x128xf32, #tpu.memory_space<vmem_shared>> -> memref<640x128xf32, #tpu.memory_space<vmem_shared>>
      tpu.enqueue_dma source(%arg8 : memref<640x128xf32, #tpu.memory_space<hbm>>) target(%dma_start3A_59 : memref<640x128xf32, #tpu.memory_space<vmem_shared>>) target_semaphore(%run_scoped3A : memref<!tpu.dma_semaphore, #tpu.memory_space<semaphore_mem>>)
      %dma_wait3A = arith.constant 0 : i32
      %dma_wait3A_60 = tpu.memref_slice %arg16[%mul3A_2, %dma_wait3A] : memref<10240x128xf32, #tpu.memory_space<vmem_shared>> -> memref<640x128xf32, #tpu.memory_space<vmem_shared>>
      tpu.wait_dma2 semaphore(%run_scoped3A : memref<!tpu.dma_semaphore, #tpu.memory_space<semaphore_mem>>) src(%arg8 : memref<640x128xf32, #tpu.memory_space<hbm>>) dst(%dma_wait3A_60 : memref<640x128xf32, #tpu.memory_space<vmem_shared>>)
      tpu.yield
    }) : () -> ()
    %barrier3A = arith.constant 0 : index
    tpu.barrier barrier_id(%barrier3A)
    %scan3A = arith.constant 0 : i32
    %scan3A_3 = arith.constant 0 : i32
    %scan3A_4 = arith.constant 79 : i32
    %scan3A_5 = arith.addi %scan3A_3, %scan3A_4 : i32
    %scan3A_6 = arith.constant 1 : i32
    scf.for %scan3A_59 = %scan3A_3 to %scan3A_5 step %scan3A_6  : i32 {
      %dma_start3A = arith.constant 0 : i32
      %dma_start3A_60 = tpu.memref_slice %arg13[%scan3A_59, %dma_start3A] : memref<79x128xi32, #tpu.memory_space<vmem>> -> memref<1x128xi32, #tpu.memory_space<vmem>>
      %dma_start3A_61 = tpu.memref_squeeze %dma_start3A_60 : memref<1x128xi32, #tpu.memory_space<vmem>> -> memref<128xi32, #tpu.memory_space<vmem>>
      %dma_start3A_62 = arith.constant 0 : i32
      %dma_start3A_63 = arith.constant 0 : i32
      %dma_start3A_64 = tpu.memref_slice %arg2[%dma_start3A_62, %dma_start3A_63] : memref<10240x128xf32, #tpu.memory_space<hbm>> -> memref<10240x128xf32, #tpu.memory_space<hbm>>
      tpu.enqueue_indirect_dma source(%dma_start3A_64 : memref<10240x128xf32, #tpu.memory_space<hbm>>) target(%arg15 : memref<128x128xf32, #tpu.memory_space<vmem>>) offsets(%dma_start3A_61 : memref<128xi32, #tpu.memory_space<vmem>>) semaphore(%arg17 : memref<!tpu.dma_semaphore, #tpu.memory_space<semaphore_mem>>)
      %dma_wait3A = arith.constant 0 : i32
      %dma_wait3A_65 = tpu.memref_slice %arg13[%scan3A_59, %dma_wait3A] : memref<79x128xi32, #tpu.memory_space<vmem>> -> memref<1x128xi32, #tpu.memory_space<vmem>>
      %dma_wait3A_66 = tpu.memref_squeeze %dma_wait3A_65 : memref<1x128xi32, #tpu.memory_space<vmem>> -> memref<128xi32, #tpu.memory_space<vmem>>
      %dma_wait3A_67 = arith.constant 0 : i32
      %dma_wait3A_68 = arith.constant 0 : i32
      %dma_wait3A_69 = tpu.memref_slice %arg2[%dma_wait3A_67, %dma_wait3A_68] : memref<10240x128xf32, #tpu.memory_space<hbm>> -> memref<10240x128xf32, #tpu.memory_space<hbm>>
      tpu.wait_indirect_dma semaphore(%arg17 : memref<!tpu.dma_semaphore, #tpu.memory_space<semaphore_mem>>) src(%dma_wait3A_69 : memref<10240x128xf32, #tpu.memory_space<hbm>>) dst(%arg15 : memref<128x128xf32, #tpu.memory_space<vmem>>)
      "tpu.region"() ({
        %run_scoped3A = tpu.sem_alloc : memref<!tpu.dma_semaphore, #tpu.memory_space<semaphore_mem>>
        %dma_start3A_70 = arith.constant 0 : i32
        %dma_start3A_71 = tpu.memref_slice %arg14[%scan3A_59, %dma_start3A_70] : memref<79x128xi32, #tpu.memory_space<vmem>> -> memref<1x128xi32, #tpu.memory_space<vmem>>
        %dma_start3A_72 = tpu.memref_squeeze %dma_start3A_71 : memref<1x128xi32, #tpu.memory_space<vmem>> -> memref<128xi32, #tpu.memory_space<vmem>>
        %dma_start3A_73 = arith.constant 0 : i32
        %dma_start3A_74 = arith.constant 0 : i32
        %dma_start3A_75 = tpu.memref_slice %arg16[%dma_start3A_73, %dma_start3A_74] : memref<10240x128xf32, #tpu.memory_space<vmem_shared>> -> memref<10240x128xf32, #tpu.memory_space<vmem_shared>>
        tpu.enqueue_indirect_dma source(%arg15 : memref<128x128xf32, #tpu.memory_space<vmem>>) target(%dma_start3A_75 : memref<10240x128xf32, #tpu.memory_space<vmem_shared>>) offsets(%dma_start3A_72 : memref<128xi32, #tpu.memory_space<vmem>>) semaphore(%run_scoped3A : memref<!tpu.dma_semaphore, #tpu.memory_space<semaphore_mem>>) {add = true}
        %dma_wait3A_76 = arith.constant 0 : i32
        %dma_wait3A_77 = tpu.memref_slice %arg14[%scan3A_59, %dma_wait3A_76] : memref<79x128xi32, #tpu.memory_space<vmem>> -> memref<1x128xi32, #tpu.memory_space<vmem>>
        %dma_wait3A_78 = tpu.memref_squeeze %dma_wait3A_77 : memref<1x128xi32, #tpu.memory_space<vmem>> -> memref<128xi32, #tpu.memory_space<vmem>>
        %dma_wait3A_79 = arith.constant 0 : i32
        %dma_wait3A_80 = arith.constant 0 : i32
        %dma_wait3A_81 = tpu.memref_slice %arg16[%dma_wait3A_79, %dma_wait3A_80] : memref<10240x128xf32, #tpu.memory_space<vmem_shared>> -> memref<10240x128xf32, #tpu.memory_space<vmem_shared>>
        tpu.wait_indirect_dma semaphore(%run_scoped3A : memref<!tpu.dma_semaphore, #tpu.memory_space<semaphore_mem>>) src(%arg15 : memref<128x128xf32, #tpu.memory_space<vmem>>) dst(%dma_wait3A_81 : memref<10240x128xf32, #tpu.memory_space<vmem_shared>>)
        tpu.yield
      }) : () -> ()
    }
    %scan3A_7 = arith.constant 79 : i32
    %barrier3A_8 = arith.constant 0 : index
    tpu.barrier barrier_id(%barrier3A_8)
    %mul3A_9 = arith.constant 640 : i32
    %mul3A_10 = arith.muli %arg1, %mul3A_9 : i32
    %mul3A_11 = arith.constant 640 : i32
    %mul3A_12 = arith.muli %arg1, %mul3A_11 : i32
    "tpu.region"() ({
      %run_scoped3A = tpu.sem_alloc : memref<!tpu.dma_semaphore, #tpu.memory_space<semaphore_mem>>
      %dma_start3A = arith.constant 0 : i32
      %dma_start3A_59 = tpu.memref_slice %arg9[%arg0, %mul3A_12, %dma_start3A] : memref<2x10240x128xf32, #tpu.memory_space<hbm>> -> memref<1x640x128xf32, #tpu.memory_space<hbm>>
      %dma_start3A_60 = tpu.memref_squeeze %dma_start3A_59 : memref<1x640x128xf32, #tpu.memory_space<hbm>> -> memref<640x128xf32, #tpu.memory_space<hbm>>
      %dma_start3A_61 = arith.constant 0 : i32
      %dma_start3A_62 = tpu.memref_slice %arg16[%mul3A_10, %dma_start3A_61] : memref<10240x128xf32, #tpu.memory_space<vmem_shared>> -> memref<640x128xf32, #tpu.memory_space<vmem_shared>>
      tpu.enqueue_dma source(%dma_start3A_62 : memref<640x128xf32, #tpu.memory_space<vmem_shared>>) target(%dma_start3A_60 : memref<640x128xf32, #tpu.memory_space<hbm>>) target_semaphore(%run_scoped3A : memref<!tpu.dma_semaphore, #tpu.memory_space<semaphore_mem>>)
      %dma_wait3A = arith.constant 0 : i32
      %dma_wait3A_63 = tpu.memref_slice %arg9[%arg0, %mul3A_12, %dma_wait3A] : memref<2x10240x128xf32, #tpu.memory_space<hbm>> -> memref<1x640x128xf32, #tpu.memory_space<hbm>>
      %dma_wait3A_64 = tpu.memref_squeeze %dma_wait3A_63 : memref<1x640x128xf32, #tpu.memory_space<hbm>> -> memref<640x128xf32, #tpu.memory_space<hbm>>
      %dma_wait3A_65 = arith.constant 0 : i32
      %dma_wait3A_66 = tpu.memref_slice %arg16[%mul3A_10, %dma_wait3A_65] : memref<10240x128xf32, #tpu.memory_space<vmem_shared>> -> memref<640x128xf32, #tpu.memory_space<vmem_shared>>
      tpu.wait_dma2 semaphore(%run_scoped3A : memref<!tpu.dma_semaphore, #tpu.memory_space<semaphore_mem>>) src(%dma_wait3A_66 : memref<640x128xf32, #tpu.memory_space<vmem_shared>>) dst(%dma_wait3A_64 : memref<640x128xf32, #tpu.memory_space<hbm>>)
      tpu.yield
    }) : () -> ()
    %barrier3A_13 = arith.constant 0 : index
    tpu.barrier barrier_id(%barrier3A_13)
    %mul3A_14 = arith.constant 640 : i32
    %mul3A_15 = arith.muli %arg1, %mul3A_14 : i32
    "tpu.region"() ({
      %run_scoped3A = tpu.sem_alloc : memref<!tpu.dma_semaphore, #tpu.memory_space<semaphore_mem>>
      %dma_start3A = arith.constant 0 : i32
      %dma_start3A_59 = tpu.memref_slice %arg16[%mul3A_15, %dma_start3A] : memref<10240x128xf32, #tpu.memory_space<vmem_shared>> -> memref<640x128xf32, #tpu.memory_space<vmem_shared>>
      tpu.enqueue_dma source(%arg8 : memref<640x128xf32, #tpu.memory_space<hbm>>) target(%dma_start3A_59 : memref<640x128xf32, #tpu.memory_space<vmem_shared>>) target_semaphore(%run_scoped3A : memref<!tpu.dma_semaphore, #tpu.memory_space<semaphore_mem>>)
      %dma_wait3A = arith.constant 0 : i32
      %dma_wait3A_60 = tpu.memref_slice %arg16[%mul3A_15, %dma_wait3A] : memref<10240x128xf32, #tpu.memory_space<vmem_shared>> -> memref<640x128xf32, #tpu.memory_space<vmem_shared>>
      tpu.wait_dma2 semaphore(%run_scoped3A : memref<!tpu.dma_semaphore, #tpu.memory_space<semaphore_mem>>) src(%arg8 : memref<640x128xf32, #tpu.memory_space<hbm>>) dst(%dma_wait3A_60 : memref<640x128xf32, #tpu.memory_space<vmem_shared>>)
      tpu.yield
    }) : () -> ()
    %barrier3A_16 = arith.constant 0 : index
    tpu.barrier barrier_id(%barrier3A_16)
    %scan3A_17 = arith.constant 0 : i32
    %scan3A_18 = arith.constant 0 : i32
    %scan3A_19 = arith.constant 79 : i32
    %scan3A_20 = arith.addi %scan3A_18, %scan3A_19 : i32
    %scan3A_21 = arith.constant 1 : i32
    scf.for %scan3A_59 = %scan3A_18 to %scan3A_20 step %scan3A_21  : i32 {
      %dma_start3A = arith.constant 0 : i32
      %dma_start3A_60 = tpu.memref_slice %arg13[%scan3A_59, %dma_start3A] : memref<79x128xi32, #tpu.memory_space<vmem>> -> memref<1x128xi32, #tpu.memory_space<vmem>>
      %dma_start3A_61 = tpu.memref_squeeze %dma_start3A_60 : memref<1x128xi32, #tpu.memory_space<vmem>> -> memref<128xi32, #tpu.memory_space<vmem>>
      %dma_start3A_62 = arith.constant 0 : i32
      %dma_start3A_63 = arith.constant 0 : i32
      %dma_start3A_64 = tpu.memref_slice %arg3[%dma_start3A_62, %dma_start3A_63] : memref<10240x128xf32, #tpu.memory_space<hbm>> -> memref<10240x128xf32, #tpu.memory_space<hbm>>
      tpu.enqueue_indirect_dma source(%dma_start3A_64 : memref<10240x128xf32, #tpu.memory_space<hbm>>) target(%arg15 : memref<128x128xf32, #tpu.memory_space<vmem>>) offsets(%dma_start3A_61 : memref<128xi32, #tpu.memory_space<vmem>>) semaphore(%arg17 : memref<!tpu.dma_semaphore, #tpu.memory_space<semaphore_mem>>)
      %dma_wait3A = arith.constant 0 : i32
      %dma_wait3A_65 = tpu.memref_slice %arg13[%scan3A_59, %dma_wait3A] : memref<79x128xi32, #tpu.memory_space<vmem>> -> memref<1x128xi32, #tpu.memory_space<vmem>>
      %dma_wait3A_66 = tpu.memref_squeeze %dma_wait3A_65 : memref<1x128xi32, #tpu.memory_space<vmem>> -> memref<128xi32, #tpu.memory_space<vmem>>
      %dma_wait3A_67 = arith.constant 0 : i32
      %dma_wait3A_68 = arith.constant 0 : i32
      %dma_wait3A_69 = tpu.memref_slice %arg3[%dma_wait3A_67, %dma_wait3A_68] : memref<10240x128xf32, #tpu.memory_space<hbm>> -> memref<10240x128xf32, #tpu.memory_space<hbm>>
      tpu.wait_indirect_dma semaphore(%arg17 : memref<!tpu.dma_semaphore, #tpu.memory_space<semaphore_mem>>) src(%dma_wait3A_69 : memref<10240x128xf32, #tpu.memory_space<hbm>>) dst(%arg15 : memref<128x128xf32, #tpu.memory_space<vmem>>)
      "tpu.region"() ({
        %run_scoped3A = tpu.sem_alloc : memref<!tpu.dma_semaphore, #tpu.memory_space<semaphore_mem>>
        %dma_start3A_70 = arith.constant 0 : i32
        %dma_start3A_71 = tpu.memref_slice %arg14[%scan3A_59, %dma_start3A_70] : memref<79x128xi32, #tpu.memory_space<vmem>> -> memref<1x128xi32, #tpu.memory_space<vmem>>
        %dma_start3A_72 = tpu.memref_squeeze %dma_start3A_71 : memref<1x128xi32, #tpu.memory_space<vmem>> -> memref<128xi32, #tpu.memory_space<vmem>>
        %dma_start3A_73 = arith.constant 0 : i32
        %dma_start3A_74 = arith.constant 0 : i32
        %dma_start3A_75 = tpu.memref_slice %arg16[%dma_start3A_73, %dma_start3A_74] : memref<10240x128xf32, #tpu.memory_space<vmem_shared>> -> memref<10240x128xf32, #tpu.memory_space<vmem_shared>>
        tpu.enqueue_indirect_dma source(%arg15 : memref<128x128xf32, #tpu.memory_space<vmem>>) target(%dma_start3A_75 : memref<10240x128xf32, #tpu.memory_space<vmem_shared>>) offsets(%dma_start3A_72 : memref<128xi32, #tpu.memory_space<vmem>>) semaphore(%run_scoped3A : memref<!tpu.dma_semaphore, #tpu.memory_space<semaphore_mem>>) {add = true}
        %dma_wait3A_76 = arith.constant 0 : i32
        %dma_wait3A_77 = tpu.memref_slice %arg14[%scan3A_59, %dma_wait3A_76] : memref<79x128xi32, #tpu.memory_space<vmem>> -> memref<1x128xi32, #tpu.memory_space<vmem>>
        %dma_wait3A_78 = tpu.memref_squeeze %dma_wait3A_77 : memref<1x128xi32, #tpu.memory_space<vmem>> -> memref<128xi32, #tpu.memory_space<vmem>>
        %dma_wait3A_79 = arith.constant 0 : i32
        %dma_wait3A_80 = arith.constant 0 : i32
        %dma_wait3A_81 = tpu.memref_slice %arg16[%dma_wait3A_79, %dma_wait3A_80] : memref<10240x128xf32, #tpu.memory_space<vmem_shared>> -> memref<10240x128xf32, #tpu.memory_space<vmem_shared>>
        tpu.wait_indirect_dma semaphore(%run_scoped3A : memref<!tpu.dma_semaphore, #tpu.memory_space<semaphore_mem>>) src(%arg15 : memref<128x128xf32, #tpu.memory_space<vmem>>) dst(%dma_wait3A_81 : memref<10240x128xf32, #tpu.memory_space<vmem_shared>>)
        tpu.yield
      }) : () -> ()
    }
    %scan3A_22 = arith.constant 79 : i32
    %barrier3A_23 = arith.constant 0 : index
    tpu.barrier barrier_id(%barrier3A_23)
    %mul3A_24 = arith.constant 640 : i32
    %mul3A_25 = arith.muli %arg1, %mul3A_24 : i32
    %mul3A_26 = arith.constant 640 : i32
    %mul3A_27 = arith.muli %arg1, %mul3A_26 : i32
    "tpu.region"() ({
      %run_scoped3A = tpu.sem_alloc : memref<!tpu.dma_semaphore, #tpu.memory_space<semaphore_mem>>
      %dma_start3A = arith.constant 0 : i32
      %dma_start3A_59 = tpu.memref_slice %arg10[%arg0, %mul3A_27, %dma_start3A] : memref<2x10240x128xf32, #tpu.memory_space<hbm>> -> memref<1x640x128xf32, #tpu.memory_space<hbm>>
      %dma_start3A_60 = tpu.memref_squeeze %dma_start3A_59 : memref<1x640x128xf32, #tpu.memory_space<hbm>> -> memref<640x128xf32, #tpu.memory_space<hbm>>
      %dma_start3A_61 = arith.constant 0 : i32
      %dma_start3A_62 = tpu.memref_slice %arg16[%mul3A_25, %dma_start3A_61] : memref<10240x128xf32, #tpu.memory_space<vmem_shared>> -> memref<640x128xf32, #tpu.memory_space<vmem_shared>>
      tpu.enqueue_dma source(%dma_start3A_62 : memref<640x128xf32, #tpu.memory_space<vmem_shared>>) target(%dma_start3A_60 : memref<640x128xf32, #tpu.memory_space<hbm>>) target_semaphore(%run_scoped3A : memref<!tpu.dma_semaphore, #tpu.memory_space<semaphore_mem>>)
      %dma_wait3A = arith.constant 0 : i32
      %dma_wait3A_63 = tpu.memref_slice %arg10[%arg0, %mul3A_27, %dma_wait3A] : memref<2x10240x128xf32, #tpu.memory_space<hbm>> -> memref<1x640x128xf32, #tpu.memory_space<hbm>>
      %dma_wait3A_64 = tpu.memref_squeeze %dma_wait3A_63 : memref<1x640x128xf32, #tpu.memory_space<hbm>> -> memref<640x128xf32, #tpu.memory_space<hbm>>
      %dma_wait3A_65 = arith.constant 0 : i32
      %dma_wait3A_66 = tpu.memref_slice %arg16[%mul3A_25, %dma_wait3A_65] : memref<10240x128xf32, #tpu.memory_space<vmem_shared>> -> memref<640x128xf32, #tpu.memory_space<vmem_shared>>
      tpu.wait_dma2 semaphore(%run_scoped3A : memref<!tpu.dma_semaphore, #tpu.memory_space<semaphore_mem>>) src(%dma_wait3A_66 : memref<640x128xf32, #tpu.memory_space<vmem_shared>>) dst(%dma_wait3A_64 : memref<640x128xf32, #tpu.memory_space<hbm>>)
      tpu.yield
    }) : () -> ()
    %barrier3A_28 = arith.constant 0 : index
    tpu.barrier barrier_id(%barrier3A_28)
    %mul3A_29 = arith.constant 640 : i32
    %mul3A_30 = arith.muli %arg1, %mul3A_29 : i32
    "tpu.region"() ({
      %run_scoped3A = tpu.sem_alloc : memref<!tpu.dma_semaphore, #tpu.memory_space<semaphore_mem>>
      %dma_start3A = arith.constant 0 : i32
      %dma_start3A_59 = tpu.memref_slice %arg16[%mul3A_30, %dma_start3A] : memref<10240x128xf32, #tpu.memory_space<vmem_shared>> -> memref<640x128xf32, #tpu.memory_space<vmem_shared>>
      tpu.enqueue_dma source(%arg8 : memref<640x128xf32, #tpu.memory_space<hbm>>) target(%dma_start3A_59 : memref<640x128xf32, #tpu.memory_space<vmem_shared>>) target_semaphore(%run_scoped3A : memref<!tpu.dma_semaphore, #tpu.memory_space<semaphore_mem>>)
      %dma_wait3A = arith.constant 0 : i32
      %dma_wait3A_60 = tpu.memref_slice %arg16[%mul3A_30, %dma_wait3A] : memref<10240x128xf32, #tpu.memory_space<vmem_shared>> -> memref<640x128xf32, #tpu.memory_space<vmem_shared>>
      tpu.wait_dma2 semaphore(%run_scoped3A : memref<!tpu.dma_semaphore, #tpu.memory_space<semaphore_mem>>) src(%arg8 : memref<640x128xf32, #tpu.memory_space<hbm>>) dst(%dma_wait3A_60 : memref<640x128xf32, #tpu.memory_space<vmem_shared>>)
      tpu.yield
    }) : () -> ()
    %barrier3A_31 = arith.constant 0 : index
    tpu.barrier barrier_id(%barrier3A_31)
    %scan3A_32 = arith.constant 0 : i32
    %scan3A_33 = arith.constant 0 : i32
    %scan3A_34 = arith.constant 79 : i32
    %scan3A_35 = arith.addi %scan3A_33, %scan3A_34 : i32
    %scan3A_36 = arith.constant 1 : i32
    scf.for %scan3A_59 = %scan3A_33 to %scan3A_35 step %scan3A_36  : i32 {
      %dma_start3A = arith.constant 0 : i32
      %dma_start3A_60 = tpu.memref_slice %arg13[%scan3A_59, %dma_start3A] : memref<79x128xi32, #tpu.memory_space<vmem>> -> memref<1x128xi32, #tpu.memory_space<vmem>>
      %dma_start3A_61 = tpu.memref_squeeze %dma_start3A_60 : memref<1x128xi32, #tpu.memory_space<vmem>> -> memref<128xi32, #tpu.memory_space<vmem>>
      %dma_start3A_62 = arith.constant 0 : i32
      %dma_start3A_63 = arith.constant 0 : i32
      %dma_start3A_64 = tpu.memref_slice %arg4[%dma_start3A_62, %dma_start3A_63] : memref<10240x128xf32, #tpu.memory_space<hbm>> -> memref<10240x128xf32, #tpu.memory_space<hbm>>
      tpu.enqueue_indirect_dma source(%dma_start3A_64 : memref<10240x128xf32, #tpu.memory_space<hbm>>) target(%arg15 : memref<128x128xf32, #tpu.memory_space<vmem>>) offsets(%dma_start3A_61 : memref<128xi32, #tpu.memory_space<vmem>>) semaphore(%arg17 : memref<!tpu.dma_semaphore, #tpu.memory_space<semaphore_mem>>)
      %dma_wait3A = arith.constant 0 : i32
      %dma_wait3A_65 = tpu.memref_slice %arg13[%scan3A_59, %dma_wait3A] : memref<79x128xi32, #tpu.memory_space<vmem>> -> memref<1x128xi32, #tpu.memory_space<vmem>>
      %dma_wait3A_66 = tpu.memref_squeeze %dma_wait3A_65 : memref<1x128xi32, #tpu.memory_space<vmem>> -> memref<128xi32, #tpu.memory_space<vmem>>
      %dma_wait3A_67 = arith.constant 0 : i32
      %dma_wait3A_68 = arith.constant 0 : i32
      %dma_wait3A_69 = tpu.memref_slice %arg4[%dma_wait3A_67, %dma_wait3A_68] : memref<10240x128xf32, #tpu.memory_space<hbm>> -> memref<10240x128xf32, #tpu.memory_space<hbm>>
      tpu.wait_indirect_dma semaphore(%arg17 : memref<!tpu.dma_semaphore, #tpu.memory_space<semaphore_mem>>) src(%dma_wait3A_69 : memref<10240x128xf32, #tpu.memory_space<hbm>>) dst(%arg15 : memref<128x128xf32, #tpu.memory_space<vmem>>)
      "tpu.region"() ({
        %run_scoped3A = tpu.sem_alloc : memref<!tpu.dma_semaphore, #tpu.memory_space<semaphore_mem>>
        %dma_start3A_70 = arith.constant 0 : i32
        %dma_start3A_71 = tpu.memref_slice %arg14[%scan3A_59, %dma_start3A_70] : memref<79x128xi32, #tpu.memory_space<vmem>> -> memref<1x128xi32, #tpu.memory_space<vmem>>
        %dma_start3A_72 = tpu.memref_squeeze %dma_start3A_71 : memref<1x128xi32, #tpu.memory_space<vmem>> -> memref<128xi32, #tpu.memory_space<vmem>>
        %dma_start3A_73 = arith.constant 0 : i32
        %dma_start3A_74 = arith.constant 0 : i32
        %dma_start3A_75 = tpu.memref_slice %arg16[%dma_start3A_73, %dma_start3A_74] : memref<10240x128xf32, #tpu.memory_space<vmem_shared>> -> memref<10240x128xf32, #tpu.memory_space<vmem_shared>>
        tpu.enqueue_indirect_dma source(%arg15 : memref<128x128xf32, #tpu.memory_space<vmem>>) target(%dma_start3A_75 : memref<10240x128xf32, #tpu.memory_space<vmem_shared>>) offsets(%dma_start3A_72 : memref<128xi32, #tpu.memory_space<vmem>>) semaphore(%run_scoped3A : memref<!tpu.dma_semaphore, #tpu.memory_space<semaphore_mem>>) {add = true}
        %dma_wait3A_76 = arith.constant 0 : i32
        %dma_wait3A_77 = tpu.memref_slice %arg14[%scan3A_59, %dma_wait3A_76] : memref<79x128xi32, #tpu.memory_space<vmem>> -> memref<1x128xi32, #tpu.memory_space<vmem>>
        %dma_wait3A_78 = tpu.memref_squeeze %dma_wait3A_77 : memref<1x128xi32, #tpu.memory_space<vmem>> -> memref<128xi32, #tpu.memory_space<vmem>>
        %dma_wait3A_79 = arith.constant 0 : i32
        %dma_wait3A_80 = arith.constant 0 : i32
        %dma_wait3A_81 = tpu.memref_slice %arg16[%dma_wait3A_79, %dma_wait3A_80] : memref<10240x128xf32, #tpu.memory_space<vmem_shared>> -> memref<10240x128xf32, #tpu.memory_space<vmem_shared>>
        tpu.wait_indirect_dma semaphore(%run_scoped3A : memref<!tpu.dma_semaphore, #tpu.memory_space<semaphore_mem>>) src(%arg15 : memref<128x128xf32, #tpu.memory_space<vmem>>) dst(%dma_wait3A_81 : memref<10240x128xf32, #tpu.memory_space<vmem_shared>>)
        tpu.yield
      }) : () -> ()
    }
    %scan3A_37 = arith.constant 79 : i32
    %barrier3A_38 = arith.constant 0 : index
    tpu.barrier barrier_id(%barrier3A_38)
    %mul3A_39 = arith.constant 640 : i32
    %mul3A_40 = arith.muli %arg1, %mul3A_39 : i32
    %mul3A_41 = arith.constant 640 : i32
    %mul3A_42 = arith.muli %arg1, %mul3A_41 : i32
    "tpu.region"() ({
      %run_scoped3A = tpu.sem_alloc : memref<!tpu.dma_semaphore, #tpu.memory_space<semaphore_mem>>
      %dma_start3A = arith.constant 0 : i32
      %dma_start3A_59 = tpu.memref_slice %arg11[%arg0, %mul3A_42, %dma_start3A] : memref<2x10240x128xf32, #tpu.memory_space<hbm>> -> memref<1x640x128xf32, #tpu.memory_space<hbm>>
      %dma_start3A_60 = tpu.memref_squeeze %dma_start3A_59 : memref<1x640x128xf32, #tpu.memory_space<hbm>> -> memref<640x128xf32, #tpu.memory_space<hbm>>
      %dma_start3A_61 = arith.constant 0 : i32
      %dma_start3A_62 = tpu.memref_slice %arg16[%mul3A_40, %dma_start3A_61] : memref<10240x128xf32, #tpu.memory_space<vmem_shared>> -> memref<640x128xf32, #tpu.memory_space<vmem_shared>>
      tpu.enqueue_dma source(%dma_start3A_62 : memref<640x128xf32, #tpu.memory_space<vmem_shared>>) target(%dma_start3A_60 : memref<640x128xf32, #tpu.memory_space<hbm>>) target_semaphore(%run_scoped3A : memref<!tpu.dma_semaphore, #tpu.memory_space<semaphore_mem>>)
      %dma_wait3A = arith.constant 0 : i32
      %dma_wait3A_63 = tpu.memref_slice %arg11[%arg0, %mul3A_42, %dma_wait3A] : memref<2x10240x128xf32, #tpu.memory_space<hbm>> -> memref<1x640x128xf32, #tpu.memory_space<hbm>>
      %dma_wait3A_64 = tpu.memref_squeeze %dma_wait3A_63 : memref<1x640x128xf32, #tpu.memory_space<hbm>> -> memref<640x128xf32, #tpu.memory_space<hbm>>
      %dma_wait3A_65 = arith.constant 0 : i32
      %dma_wait3A_66 = tpu.memref_slice %arg16[%mul3A_40, %dma_wait3A_65] : memref<10240x128xf32, #tpu.memory_space<vmem_shared>> -> memref<640x128xf32, #tpu.memory_space<vmem_shared>>
      tpu.wait_dma2 semaphore(%run_scoped3A : memref<!tpu.dma_semaphore, #tpu.memory_space<semaphore_mem>>) src(%dma_wait3A_66 : memref<640x128xf32, #tpu.memory_space<vmem_shared>>) dst(%dma_wait3A_64 : memref<640x128xf32, #tpu.memory_space<hbm>>)
      tpu.yield
    }) : () -> ()
    %barrier3A_43 = arith.constant 0 : index
    tpu.barrier barrier_id(%barrier3A_43)
    %mul3A_44 = arith.constant 640 : i32
    %mul3A_45 = arith.muli %arg1, %mul3A_44 : i32
    "tpu.region"() ({
      %run_scoped3A = tpu.sem_alloc : memref<!tpu.dma_semaphore, #tpu.memory_space<semaphore_mem>>
      %dma_start3A = arith.constant 0 : i32
      %dma_start3A_59 = tpu.memref_slice %arg16[%mul3A_45, %dma_start3A] : memref<10240x128xf32, #tpu.memory_space<vmem_shared>> -> memref<640x128xf32, #tpu.memory_space<vmem_shared>>
      tpu.enqueue_dma source(%arg8 : memref<640x128xf32, #tpu.memory_space<hbm>>) target(%dma_start3A_59 : memref<640x128xf32, #tpu.memory_space<vmem_shared>>) target_semaphore(%run_scoped3A : memref<!tpu.dma_semaphore, #tpu.memory_space<semaphore_mem>>)
      %dma_wait3A = arith.constant 0 : i32
      %dma_wait3A_60 = tpu.memref_slice %arg16[%mul3A_45, %dma_wait3A] : memref<10240x128xf32, #tpu.memory_space<vmem_shared>> -> memref<640x128xf32, #tpu.memory_space<vmem_shared>>
      tpu.wait_dma2 semaphore(%run_scoped3A : memref<!tpu.dma_semaphore, #tpu.memory_space<semaphore_mem>>) src(%arg8 : memref<640x128xf32, #tpu.memory_space<hbm>>) dst(%dma_wait3A_60 : memref<640x128xf32, #tpu.memory_space<vmem_shared>>)
      tpu.yield
    }) : () -> ()
    %barrier3A_46 = arith.constant 0 : index
    tpu.barrier barrier_id(%barrier3A_46)
    %scan3A_47 = arith.constant 0 : i32
    %scan3A_48 = arith.constant 0 : i32
    %scan3A_49 = arith.constant 79 : i32
    %scan3A_50 = arith.addi %scan3A_48, %scan3A_49 : i32
    %scan3A_51 = arith.constant 1 : i32
    scf.for %scan3A_59 = %scan3A_48 to %scan3A_50 step %scan3A_51  : i32 {
      %dma_start3A = arith.constant 0 : i32
      %dma_start3A_60 = tpu.memref_slice %arg13[%scan3A_59, %dma_start3A] : memref<79x128xi32, #tpu.memory_space<vmem>> -> memref<1x128xi32, #tpu.memory_space<vmem>>
      %dma_start3A_61 = tpu.memref_squeeze %dma_start3A_60 : memref<1x128xi32, #tpu.memory_space<vmem>> -> memref<128xi32, #tpu.memory_space<vmem>>
      %dma_start3A_62 = arith.constant 0 : i32
      %dma_start3A_63 = arith.constant 0 : i32
      %dma_start3A_64 = tpu.memref_slice %arg5[%dma_start3A_62, %dma_start3A_63] : memref<10240x128xf32, #tpu.memory_space<hbm>> -> memref<10240x128xf32, #tpu.memory_space<hbm>>
      tpu.enqueue_indirect_dma source(%dma_start3A_64 : memref<10240x128xf32, #tpu.memory_space<hbm>>) target(%arg15 : memref<128x128xf32, #tpu.memory_space<vmem>>) offsets(%dma_start3A_61 : memref<128xi32, #tpu.memory_space<vmem>>) semaphore(%arg17 : memref<!tpu.dma_semaphore, #tpu.memory_space<semaphore_mem>>)
      %dma_wait3A = arith.constant 0 : i32
      %dma_wait3A_65 = tpu.memref_slice %arg13[%scan3A_59, %dma_wait3A] : memref<79x128xi32, #tpu.memory_space<vmem>> -> memref<1x128xi32, #tpu.memory_space<vmem>>
      %dma_wait3A_66 = tpu.memref_squeeze %dma_wait3A_65 : memref<1x128xi32, #tpu.memory_space<vmem>> -> memref<128xi32, #tpu.memory_space<vmem>>
      %dma_wait3A_67 = arith.constant 0 : i32
      %dma_wait3A_68 = arith.constant 0 : i32
      %dma_wait3A_69 = tpu.memref_slice %arg5[%dma_wait3A_67, %dma_wait3A_68] : memref<10240x128xf32, #tpu.memory_space<hbm>> -> memref<10240x128xf32, #tpu.memory_space<hbm>>
      tpu.wait_indirect_dma semaphore(%arg17 : memref<!tpu.dma_semaphore, #tpu.memory_space<semaphore_mem>>) src(%dma_wait3A_69 : memref<10240x128xf32, #tpu.memory_space<hbm>>) dst(%arg15 : memref<128x128xf32, #tpu.memory_space<vmem>>)
      "tpu.region"() ({
        %run_scoped3A = tpu.sem_alloc : memref<!tpu.dma_semaphore, #tpu.memory_space<semaphore_mem>>
        %dma_start3A_70 = arith.constant 0 : i32
        %dma_start3A_71 = tpu.memref_slice %arg14[%scan3A_59, %dma_start3A_70] : memref<79x128xi32, #tpu.memory_space<vmem>> -> memref<1x128xi32, #tpu.memory_space<vmem>>
        %dma_start3A_72 = tpu.memref_squeeze %dma_start3A_71 : memref<1x128xi32, #tpu.memory_space<vmem>> -> memref<128xi32, #tpu.memory_space<vmem>>
        %dma_start3A_73 = arith.constant 0 : i32
        %dma_start3A_74 = arith.constant 0 : i32
        %dma_start3A_75 = tpu.memref_slice %arg16[%dma_start3A_73, %dma_start3A_74] : memref<10240x128xf32, #tpu.memory_space<vmem_shared>> -> memref<10240x128xf32, #tpu.memory_space<vmem_shared>>
        tpu.enqueue_indirect_dma source(%arg15 : memref<128x128xf32, #tpu.memory_space<vmem>>) target(%dma_start3A_75 : memref<10240x128xf32, #tpu.memory_space<vmem_shared>>) offsets(%dma_start3A_72 : memref<128xi32, #tpu.memory_space<vmem>>) semaphore(%run_scoped3A : memref<!tpu.dma_semaphore, #tpu.memory_space<semaphore_mem>>) {add = true}
        %dma_wait3A_76 = arith.constant 0 : i32
        %dma_wait3A_77 = tpu.memref_slice %arg14[%scan3A_59, %dma_wait3A_76] : memref<79x128xi32, #tpu.memory_space<vmem>> -> memref<1x128xi32, #tpu.memory_space<vmem>>
        %dma_wait3A_78 = tpu.memref_squeeze %dma_wait3A_77 : memref<1x128xi32, #tpu.memory_space<vmem>> -> memref<128xi32, #tpu.memory_space<vmem>>
        %dma_wait3A_79 = arith.constant 0 : i32
        %dma_wait3A_80 = arith.constant 0 : i32
        %dma_wait3A_81 = tpu.memref_slice %arg16[%dma_wait3A_79, %dma_wait3A_80] : memref<10240x128xf32, #tpu.memory_space<vmem_shared>> -> memref<10240x128xf32, #tpu.memory_space<vmem_shared>>
        tpu.wait_indirect_dma semaphore(%run_scoped3A : memref<!tpu.dma_semaphore, #tpu.memory_space<semaphore_mem>>) src(%arg15 : memref<128x128xf32, #tpu.memory_space<vmem>>) dst(%dma_wait3A_81 : memref<10240x128xf32, #tpu.memory_space<vmem_shared>>)
        tpu.yield
      }) : () -> ()
    }
    %scan3A_52 = arith.constant 79 : i32
    %barrier3A_53 = arith.constant 0 : index
    tpu.barrier barrier_id(%barrier3A_53)
    %mul3A_54 = arith.constant 640 : i32
    %mul3A_55 = arith.muli %arg1, %mul3A_54 : i32
    %mul3A_56 = arith.constant 640 : i32
    %mul3A_57 = arith.muli %arg1, %mul3A_56 : i32
    "tpu.region"() ({
      %run_scoped3A = tpu.sem_alloc : memref<!tpu.dma_semaphore, #tpu.memory_space<semaphore_mem>>
      %dma_start3A = arith.constant 0 : i32
      %dma_start3A_59 = tpu.memref_slice %arg12[%arg0, %mul3A_57, %dma_start3A] : memref<2x10240x128xf32, #tpu.memory_space<hbm>> -> memref<1x640x128xf32, #tpu.memory_space<hbm>>
      %dma_start3A_60 = tpu.memref_squeeze %dma_start3A_59 : memref<1x640x128xf32, #tpu.memory_space<hbm>> -> memref<640x128xf32, #tpu.memory_space<hbm>>
      %dma_start3A_61 = arith.constant 0 : i32
      %dma_start3A_62 = tpu.memref_slice %arg16[%mul3A_55, %dma_start3A_61] : memref<10240x128xf32, #tpu.memory_space<vmem_shared>> -> memref<640x128xf32, #tpu.memory_space<vmem_shared>>
      tpu.enqueue_dma source(%dma_start3A_62 : memref<640x128xf32, #tpu.memory_space<vmem_shared>>) target(%dma_start3A_60 : memref<640x128xf32, #tpu.memory_space<hbm>>) target_semaphore(%run_scoped3A : memref<!tpu.dma_semaphore, #tpu.memory_space<semaphore_mem>>)
      %dma_wait3A = arith.constant 0 : i32
      %dma_wait3A_63 = tpu.memref_slice %arg12[%arg0, %mul3A_57, %dma_wait3A] : memref<2x10240x128xf32, #tpu.memory_space<hbm>> -> memref<1x640x128xf32, #tpu.memory_space<hbm>>
      %dma_wait3A_64 = tpu.memref_squeeze %dma_wait3A_63 : memref<1x640x128xf32, #tpu.memory_space<hbm>> -> memref<640x128xf32, #tpu.memory_space<hbm>>
      %dma_wait3A_65 = arith.constant 0 : i32
      %dma_wait3A_66 = tpu.memref_slice %arg16[%mul3A_55, %dma_wait3A_65] : memref<10240x128xf32, #tpu.memory_space<vmem_shared>> -> memref<640x128xf32, #tpu.memory_space<vmem_shared>>
      tpu.wait_dma2 semaphore(%run_scoped3A : memref<!tpu.dma_semaphore, #tpu.memory_space<semaphore_mem>>) src(%dma_wait3A_66 : memref<640x128xf32, #tpu.memory_space<vmem_shared>>) dst(%dma_wait3A_64 : memref<640x128xf32, #tpu.memory_space<hbm>>)
      tpu.yield
    }) : () -> ()
    %barrier3A_58 = arith.constant 0 : index
    tpu.barrier barrier_id(%barrier3A_58)
    return
  }
}

#map = affine_map<(d0, d1) -> (0, 0)>
#map1 = affine_map<(d0, d1) -> (0, 0, 0)>
module attributes {stable_mosaic.version = 14 : i64} {
  func.func @_agg_body(%arg0: i32, %arg1: i32, %arg2: memref<10240x128xf32, #tpu.memory_space<hbm>>, %arg3: memref<32x79x128xi32, #tpu.memory_space<hbm>>, %arg4: memref<32x79x128xi32, #tpu.memory_space<hbm>>, %arg5: memref<640x128xf32, #tpu.memory_space<hbm>>, %arg6: memref<2x10240x128xf32, #tpu.memory_space<hbm>>, %arg7: memref<79x128xi32, #tpu.memory_space<vmem>>, %arg8: memref<79x128xi32, #tpu.memory_space<vmem>>, %arg9: memref<128x128xf32, #tpu.memory_space<vmem>>, %arg10: memref<10240x128xf32, #tpu.memory_space<vmem_shared>>, %arg11: memref<!tpu.dma_semaphore, #tpu.memory_space<semaphore_mem>>) attributes {dimension_semantics = [#tpu.dimension_semantics<core_parallel>, #tpu.dimension_semantics<subcore_parallel>], iteration_bounds = array<i64: 2, 16>, scalar_prefetch = 0 : i64, scratch_operands = 5 : i64, tpu.core_type = #tpu.core_type<sc_vector_subcore>, window_params = [{transform_indices = #map}, {transform_indices = #map1}, {transform_indices = #map1}, {transform_indices = #map}, {transform_indices = #map1}]} {
    %mul3A = arith.constant 16 : i32
    %mul3A_0 = arith.muli %arg0, %mul3A : i32
    %add3A = arith.addi %mul3A_0, %arg1 : i32
    "tpu.region"() ({
      %run_scoped3A = tpu.sem_alloc : memref<!tpu.dma_semaphore, #tpu.memory_space<semaphore_mem>>
      %dma_start3A = arith.constant 0 : i32
      %dma_start3A_14 = arith.constant 0 : i32
      %dma_start3A_15 = tpu.memref_slice %arg3[%add3A, %dma_start3A, %dma_start3A_14] : memref<32x79x128xi32, #tpu.memory_space<hbm>> -> memref<1x79x128xi32, #tpu.memory_space<hbm>>
      %dma_start3A_16 = tpu.memref_squeeze %dma_start3A_15 : memref<1x79x128xi32, #tpu.memory_space<hbm>> -> memref<79x128xi32, #tpu.memory_space<hbm>>
      %dma_start3A_17 = arith.constant 0 : i32
      %dma_start3A_18 = arith.constant 0 : i32
      %dma_start3A_19 = tpu.memref_slice %arg3[%add3A, %dma_start3A_17, %dma_start3A_18] : memref<32x79x128xi32, #tpu.memory_space<hbm>> -> memref<1x79x128xi32, #tpu.memory_space<hbm>>
      %dma_start3A_20 = tpu.memref_squeeze %dma_start3A_19 : memref<1x79x128xi32, #tpu.memory_space<hbm>> -> memref<79x128xi32, #tpu.memory_space<hbm>>
      tpu.enqueue_dma source(%dma_start3A_20 : memref<79x128xi32, #tpu.memory_space<hbm>>) target(%arg7 : memref<79x128xi32, #tpu.memory_space<vmem>>) target_semaphore(%run_scoped3A : memref<!tpu.dma_semaphore, #tpu.memory_space<semaphore_mem>>)
      %dma_wait3A = arith.constant 0 : i32
      %dma_wait3A_21 = arith.constant 0 : i32
      %dma_wait3A_22 = tpu.memref_slice %arg3[%add3A, %dma_wait3A, %dma_wait3A_21] : memref<32x79x128xi32, #tpu.memory_space<hbm>> -> memref<1x79x128xi32, #tpu.memory_space<hbm>>
      %dma_wait3A_23 = tpu.memref_squeeze %dma_wait3A_22 : memref<1x79x128xi32, #tpu.memory_space<hbm>> -> memref<79x128xi32, #tpu.memory_space<hbm>>
      %dma_wait3A_24 = arith.constant 0 : i32
      %dma_wait3A_25 = arith.constant 0 : i32
      %dma_wait3A_26 = tpu.memref_slice %arg3[%add3A, %dma_wait3A_24, %dma_wait3A_25] : memref<32x79x128xi32, #tpu.memory_space<hbm>> -> memref<1x79x128xi32, #tpu.memory_space<hbm>>
      %dma_wait3A_27 = tpu.memref_squeeze %dma_wait3A_26 : memref<1x79x128xi32, #tpu.memory_space<hbm>> -> memref<79x128xi32, #tpu.memory_space<hbm>>
      tpu.wait_dma2 semaphore(%run_scoped3A : memref<!tpu.dma_semaphore, #tpu.memory_space<semaphore_mem>>) src(%dma_wait3A_27 : memref<79x128xi32, #tpu.memory_space<hbm>>) dst(%arg7 : memref<79x128xi32, #tpu.memory_space<vmem>>)
      tpu.yield
    }) : () -> ()
    "tpu.region"() ({
      %run_scoped3A = tpu.sem_alloc : memref<!tpu.dma_semaphore, #tpu.memory_space<semaphore_mem>>
      %dma_start3A = arith.constant 0 : i32
      %dma_start3A_14 = arith.constant 0 : i32
      %dma_start3A_15 = tpu.memref_slice %arg4[%add3A, %dma_start3A, %dma_start3A_14] : memref<32x79x128xi32, #tpu.memory_space<hbm>> -> memref<1x79x128xi32, #tpu.memory_space<hbm>>
      %dma_start3A_16 = tpu.memref_squeeze %dma_start3A_15 : memref<1x79x128xi32, #tpu.memory_space<hbm>> -> memref<79x128xi32, #tpu.memory_space<hbm>>
      %dma_start3A_17 = arith.constant 0 : i32
      %dma_start3A_18 = arith.constant 0 : i32
      %dma_start3A_19 = tpu.memref_slice %arg4[%add3A, %dma_start3A_17, %dma_start3A_18] : memref<32x79x128xi32, #tpu.memory_space<hbm>> -> memref<1x79x128xi32, #tpu.memory_space<hbm>>
      %dma_start3A_20 = tpu.memref_squeeze %dma_start3A_19 : memref<1x79x128xi32, #tpu.memory_space<hbm>> -> memref<79x128xi32, #tpu.memory_space<hbm>>
      tpu.enqueue_dma source(%dma_start3A_20 : memref<79x128xi32, #tpu.memory_space<hbm>>) target(%arg8 : memref<79x128xi32, #tpu.memory_space<vmem>>) target_semaphore(%run_scoped3A : memref<!tpu.dma_semaphore, #tpu.memory_space<semaphore_mem>>)
      %dma_wait3A = arith.constant 0 : i32
      %dma_wait3A_21 = arith.constant 0 : i32
      %dma_wait3A_22 = tpu.memref_slice %arg4[%add3A, %dma_wait3A, %dma_wait3A_21] : memref<32x79x128xi32, #tpu.memory_space<hbm>> -> memref<1x79x128xi32, #tpu.memory_space<hbm>>
      %dma_wait3A_23 = tpu.memref_squeeze %dma_wait3A_22 : memref<1x79x128xi32, #tpu.memory_space<hbm>> -> memref<79x128xi32, #tpu.memory_space<hbm>>
      %dma_wait3A_24 = arith.constant 0 : i32
      %dma_wait3A_25 = arith.constant 0 : i32
      %dma_wait3A_26 = tpu.memref_slice %arg4[%add3A, %dma_wait3A_24, %dma_wait3A_25] : memref<32x79x128xi32, #tpu.memory_space<hbm>> -> memref<1x79x128xi32, #tpu.memory_space<hbm>>
      %dma_wait3A_27 = tpu.memref_squeeze %dma_wait3A_26 : memref<1x79x128xi32, #tpu.memory_space<hbm>> -> memref<79x128xi32, #tpu.memory_space<hbm>>
      tpu.wait_dma2 semaphore(%run_scoped3A : memref<!tpu.dma_semaphore, #tpu.memory_space<semaphore_mem>>) src(%dma_wait3A_27 : memref<79x128xi32, #tpu.memory_space<hbm>>) dst(%arg8 : memref<79x128xi32, #tpu.memory_space<vmem>>)
      tpu.yield
    }) : () -> ()
    %mul3A_1 = arith.constant 640 : i32
    %mul3A_2 = arith.muli %arg1, %mul3A_1 : i32
    "tpu.region"() ({
      %run_scoped3A = tpu.sem_alloc : memref<!tpu.dma_semaphore, #tpu.memory_space<semaphore_mem>>
      %dma_start3A = arith.constant 0 : i32
      %dma_start3A_14 = tpu.memref_slice %arg10[%mul3A_2, %dma_start3A] : memref<10240x128xf32, #tpu.memory_space<vmem_shared>> -> memref<640x128xf32, #tpu.memory_space<vmem_shared>>
      tpu.enqueue_dma source(%arg5 : memref<640x128xf32, #tpu.memory_space<hbm>>) target(%dma_start3A_14 : memref<640x128xf32, #tpu.memory_space<vmem_shared>>) target_semaphore(%run_scoped3A : memref<!tpu.dma_semaphore, #tpu.memory_space<semaphore_mem>>)
      %dma_wait3A = arith.constant 0 : i32
      %dma_wait3A_15 = tpu.memref_slice %arg10[%mul3A_2, %dma_wait3A] : memref<10240x128xf32, #tpu.memory_space<vmem_shared>> -> memref<640x128xf32, #tpu.memory_space<vmem_shared>>
      tpu.wait_dma2 semaphore(%run_scoped3A : memref<!tpu.dma_semaphore, #tpu.memory_space<semaphore_mem>>) src(%arg5 : memref<640x128xf32, #tpu.memory_space<hbm>>) dst(%dma_wait3A_15 : memref<640x128xf32, #tpu.memory_space<vmem_shared>>)
      tpu.yield
    }) : () -> ()
    %barrier3A = arith.constant 0 : index
    tpu.barrier barrier_id(%barrier3A)
    %scan3A = arith.constant 0 : i32
    %scan3A_3 = arith.constant 0 : i32
    %scan3A_4 = arith.constant 79 : i32
    %scan3A_5 = arith.addi %scan3A_3, %scan3A_4 : i32
    %scan3A_6 = arith.constant 1 : i32
    scf.for %scan3A_14 = %scan3A_3 to %scan3A_5 step %scan3A_6  : i32 {
      %dma_start3A = arith.constant 0 : i32
      %dma_start3A_15 = tpu.memref_slice %arg7[%scan3A_14, %dma_start3A] : memref<79x128xi32, #tpu.memory_space<vmem>> -> memref<1x128xi32, #tpu.memory_space<vmem>>
      %dma_start3A_16 = tpu.memref_squeeze %dma_start3A_15 : memref<1x128xi32, #tpu.memory_space<vmem>> -> memref<128xi32, #tpu.memory_space<vmem>>
      %dma_start3A_17 = arith.constant 0 : i32
      %dma_start3A_18 = arith.constant 0 : i32
      %dma_start3A_19 = tpu.memref_slice %arg2[%dma_start3A_17, %dma_start3A_18] : memref<10240x128xf32, #tpu.memory_space<hbm>> -> memref<10240x128xf32, #tpu.memory_space<hbm>>
      tpu.enqueue_indirect_dma source(%dma_start3A_19 : memref<10240x128xf32, #tpu.memory_space<hbm>>) target(%arg9 : memref<128x128xf32, #tpu.memory_space<vmem>>) offsets(%dma_start3A_16 : memref<128xi32, #tpu.memory_space<vmem>>) semaphore(%arg11 : memref<!tpu.dma_semaphore, #tpu.memory_space<semaphore_mem>>)
      %dma_wait3A = arith.constant 0 : i32
      %dma_wait3A_20 = tpu.memref_slice %arg7[%scan3A_14, %dma_wait3A] : memref<79x128xi32, #tpu.memory_space<vmem>> -> memref<1x128xi32, #tpu.memory_space<vmem>>
      %dma_wait3A_21 = tpu.memref_squeeze %dma_wait3A_20 : memref<1x128xi32, #tpu.memory_space<vmem>> -> memref<128xi32, #tpu.memory_space<vmem>>
      %dma_wait3A_22 = arith.constant 0 : i32
      %dma_wait3A_23 = arith.constant 0 : i32
      %dma_wait3A_24 = tpu.memref_slice %arg2[%dma_wait3A_22, %dma_wait3A_23] : memref<10240x128xf32, #tpu.memory_space<hbm>> -> memref<10240x128xf32, #tpu.memory_space<hbm>>
      tpu.wait_indirect_dma semaphore(%arg11 : memref<!tpu.dma_semaphore, #tpu.memory_space<semaphore_mem>>) src(%dma_wait3A_24 : memref<10240x128xf32, #tpu.memory_space<hbm>>) dst(%arg9 : memref<128x128xf32, #tpu.memory_space<vmem>>)
      "tpu.region"() ({
        %run_scoped3A = tpu.sem_alloc : memref<!tpu.dma_semaphore, #tpu.memory_space<semaphore_mem>>
        %dma_start3A_25 = arith.constant 0 : i32
        %dma_start3A_26 = tpu.memref_slice %arg8[%scan3A_14, %dma_start3A_25] : memref<79x128xi32, #tpu.memory_space<vmem>> -> memref<1x128xi32, #tpu.memory_space<vmem>>
        %dma_start3A_27 = tpu.memref_squeeze %dma_start3A_26 : memref<1x128xi32, #tpu.memory_space<vmem>> -> memref<128xi32, #tpu.memory_space<vmem>>
        %dma_start3A_28 = arith.constant 0 : i32
        %dma_start3A_29 = arith.constant 0 : i32
        %dma_start3A_30 = tpu.memref_slice %arg10[%dma_start3A_28, %dma_start3A_29] : memref<10240x128xf32, #tpu.memory_space<vmem_shared>> -> memref<10240x128xf32, #tpu.memory_space<vmem_shared>>
        tpu.enqueue_indirect_dma source(%arg9 : memref<128x128xf32, #tpu.memory_space<vmem>>) target(%dma_start3A_30 : memref<10240x128xf32, #tpu.memory_space<vmem_shared>>) offsets(%dma_start3A_27 : memref<128xi32, #tpu.memory_space<vmem>>) semaphore(%run_scoped3A : memref<!tpu.dma_semaphore, #tpu.memory_space<semaphore_mem>>) {add = true}
        %dma_wait3A_31 = arith.constant 0 : i32
        %dma_wait3A_32 = tpu.memref_slice %arg8[%scan3A_14, %dma_wait3A_31] : memref<79x128xi32, #tpu.memory_space<vmem>> -> memref<1x128xi32, #tpu.memory_space<vmem>>
        %dma_wait3A_33 = tpu.memref_squeeze %dma_wait3A_32 : memref<1x128xi32, #tpu.memory_space<vmem>> -> memref<128xi32, #tpu.memory_space<vmem>>
        %dma_wait3A_34 = arith.constant 0 : i32
        %dma_wait3A_35 = arith.constant 0 : i32
        %dma_wait3A_36 = tpu.memref_slice %arg10[%dma_wait3A_34, %dma_wait3A_35] : memref<10240x128xf32, #tpu.memory_space<vmem_shared>> -> memref<10240x128xf32, #tpu.memory_space<vmem_shared>>
        tpu.wait_indirect_dma semaphore(%run_scoped3A : memref<!tpu.dma_semaphore, #tpu.memory_space<semaphore_mem>>) src(%arg9 : memref<128x128xf32, #tpu.memory_space<vmem>>) dst(%dma_wait3A_36 : memref<10240x128xf32, #tpu.memory_space<vmem_shared>>)
        tpu.yield
      }) : () -> ()
    }
    %scan3A_7 = arith.constant 79 : i32
    %barrier3A_8 = arith.constant 0 : index
    tpu.barrier barrier_id(%barrier3A_8)
    %mul3A_9 = arith.constant 640 : i32
    %mul3A_10 = arith.muli %arg1, %mul3A_9 : i32
    %mul3A_11 = arith.constant 640 : i32
    %mul3A_12 = arith.muli %arg1, %mul3A_11 : i32
    "tpu.region"() ({
      %run_scoped3A = tpu.sem_alloc : memref<!tpu.dma_semaphore, #tpu.memory_space<semaphore_mem>>
      %dma_start3A = arith.constant 0 : i32
      %dma_start3A_14 = tpu.memref_slice %arg6[%arg0, %mul3A_12, %dma_start3A] : memref<2x10240x128xf32, #tpu.memory_space<hbm>> -> memref<1x640x128xf32, #tpu.memory_space<hbm>>
      %dma_start3A_15 = tpu.memref_squeeze %dma_start3A_14 : memref<1x640x128xf32, #tpu.memory_space<hbm>> -> memref<640x128xf32, #tpu.memory_space<hbm>>
      %dma_start3A_16 = arith.constant 0 : i32
      %dma_start3A_17 = tpu.memref_slice %arg10[%mul3A_10, %dma_start3A_16] : memref<10240x128xf32, #tpu.memory_space<vmem_shared>> -> memref<640x128xf32, #tpu.memory_space<vmem_shared>>
      tpu.enqueue_dma source(%dma_start3A_17 : memref<640x128xf32, #tpu.memory_space<vmem_shared>>) target(%dma_start3A_15 : memref<640x128xf32, #tpu.memory_space<hbm>>) target_semaphore(%run_scoped3A : memref<!tpu.dma_semaphore, #tpu.memory_space<semaphore_mem>>)
      %dma_wait3A = arith.constant 0 : i32
      %dma_wait3A_18 = tpu.memref_slice %arg6[%arg0, %mul3A_12, %dma_wait3A] : memref<2x10240x128xf32, #tpu.memory_space<hbm>> -> memref<1x640x128xf32, #tpu.memory_space<hbm>>
      %dma_wait3A_19 = tpu.memref_squeeze %dma_wait3A_18 : memref<1x640x128xf32, #tpu.memory_space<hbm>> -> memref<640x128xf32, #tpu.memory_space<hbm>>
      %dma_wait3A_20 = arith.constant 0 : i32
      %dma_wait3A_21 = tpu.memref_slice %arg10[%mul3A_10, %dma_wait3A_20] : memref<10240x128xf32, #tpu.memory_space<vmem_shared>> -> memref<640x128xf32, #tpu.memory_space<vmem_shared>>
      tpu.wait_dma2 semaphore(%run_scoped3A : memref<!tpu.dma_semaphore, #tpu.memory_space<semaphore_mem>>) src(%dma_wait3A_21 : memref<640x128xf32, #tpu.memory_space<vmem_shared>>) dst(%dma_wait3A_19 : memref<640x128xf32, #tpu.memory_space<hbm>>)
      tpu.yield
    }) : () -> ()
    %barrier3A_13 = arith.constant 0 : index
    tpu.barrier barrier_id(%barrier3A_13)
    return
  }
}

#map = affine_map<(d0, d1) -> (0, 0)>
#map1 = affine_map<(d0, d1) -> (0, 0, 0)>
module attributes {stable_mosaic.version = 14 : i64} {
  func.func @_agg_body(%arg0: i32, %arg1: i32, %arg2: memref<10240x128xf32, #tpu.memory_space<hbm>>, %arg3: memref<32x79x128xi32, #tpu.memory_space<hbm>>, %arg4: memref<32x79x128xi32, #tpu.memory_space<hbm>>, %arg5: memref<640x128xf32, #tpu.memory_space<hbm>>, %arg6: memref<2x10240x128xf32, #tpu.memory_space<hbm>>, %arg7: memref<79x128xi32, #tpu.memory_space<vmem>>, %arg8: memref<79x128xi32, #tpu.memory_space<vmem>>, %arg9: memref<128x128xf32, #tpu.memory_space<vmem>>, %arg10: memref<10240x128xf32, #tpu.memory_space<vmem_shared>>, %arg11: memref<!tpu.dma_semaphore, #tpu.memory_space<semaphore_mem>>) attributes {dimension_semantics = [#tpu.dimension_semantics<core_parallel>, #tpu.dimension_semantics<subcore_parallel>], iteration_bounds = array<i64: 2, 16>, scalar_prefetch = 0 : i64, scratch_operands = 5 : i64, tpu.core_type = #tpu.core_type<sc_vector_subcore>, window_params = [{transform_indices = #map}, {transform_indices = #map1}, {transform_indices = #map1}, {transform_indices = #map}, {transform_indices = #map1}]} {
    %mul3A = arith.constant 16 : i32
    %mul3A_0 = arith.muli %arg0, %mul3A : i32
    %add3A = arith.addi %mul3A_0, %arg1 : i32
    "tpu.region"() ({
      %run_scoped3A = tpu.sem_alloc : memref<!tpu.dma_semaphore, #tpu.memory_space<semaphore_mem>>
      %dma_start3A = arith.constant 0 : i32
      %dma_start3A_14 = arith.constant 0 : i32
      %dma_start3A_15 = tpu.memref_slice %arg3[%add3A, %dma_start3A, %dma_start3A_14] : memref<32x79x128xi32, #tpu.memory_space<hbm>> -> memref<1x79x128xi32, #tpu.memory_space<hbm>>
      %dma_start3A_16 = tpu.memref_squeeze %dma_start3A_15 : memref<1x79x128xi32, #tpu.memory_space<hbm>> -> memref<79x128xi32, #tpu.memory_space<hbm>>
      %dma_start3A_17 = arith.constant 0 : i32
      %dma_start3A_18 = arith.constant 0 : i32
      %dma_start3A_19 = tpu.memref_slice %arg3[%add3A, %dma_start3A_17, %dma_start3A_18] : memref<32x79x128xi32, #tpu.memory_space<hbm>> -> memref<1x79x128xi32, #tpu.memory_space<hbm>>
      %dma_start3A_20 = tpu.memref_squeeze %dma_start3A_19 : memref<1x79x128xi32, #tpu.memory_space<hbm>> -> memref<79x128xi32, #tpu.memory_space<hbm>>
      tpu.enqueue_dma source(%dma_start3A_20 : memref<79x128xi32, #tpu.memory_space<hbm>>) target(%arg7 : memref<79x128xi32, #tpu.memory_space<vmem>>) target_semaphore(%run_scoped3A : memref<!tpu.dma_semaphore, #tpu.memory_space<semaphore_mem>>)
      %dma_wait3A = arith.constant 0 : i32
      %dma_wait3A_21 = arith.constant 0 : i32
      %dma_wait3A_22 = tpu.memref_slice %arg3[%add3A, %dma_wait3A, %dma_wait3A_21] : memref<32x79x128xi32, #tpu.memory_space<hbm>> -> memref<1x79x128xi32, #tpu.memory_space<hbm>>
      %dma_wait3A_23 = tpu.memref_squeeze %dma_wait3A_22 : memref<1x79x128xi32, #tpu.memory_space<hbm>> -> memref<79x128xi32, #tpu.memory_space<hbm>>
      %dma_wait3A_24 = arith.constant 0 : i32
      %dma_wait3A_25 = arith.constant 0 : i32
      %dma_wait3A_26 = tpu.memref_slice %arg3[%add3A, %dma_wait3A_24, %dma_wait3A_25] : memref<32x79x128xi32, #tpu.memory_space<hbm>> -> memref<1x79x128xi32, #tpu.memory_space<hbm>>
      %dma_wait3A_27 = tpu.memref_squeeze %dma_wait3A_26 : memref<1x79x128xi32, #tpu.memory_space<hbm>> -> memref<79x128xi32, #tpu.memory_space<hbm>>
      tpu.wait_dma2 semaphore(%run_scoped3A : memref<!tpu.dma_semaphore, #tpu.memory_space<semaphore_mem>>) src(%dma_wait3A_27 : memref<79x128xi32, #tpu.memory_space<hbm>>) dst(%arg7 : memref<79x128xi32, #tpu.memory_space<vmem>>)
      tpu.yield
    }) : () -> ()
    "tpu.region"() ({
      %run_scoped3A = tpu.sem_alloc : memref<!tpu.dma_semaphore, #tpu.memory_space<semaphore_mem>>
      %dma_start3A = arith.constant 0 : i32
      %dma_start3A_14 = arith.constant 0 : i32
      %dma_start3A_15 = tpu.memref_slice %arg4[%add3A, %dma_start3A, %dma_start3A_14] : memref<32x79x128xi32, #tpu.memory_space<hbm>> -> memref<1x79x128xi32, #tpu.memory_space<hbm>>
      %dma_start3A_16 = tpu.memref_squeeze %dma_start3A_15 : memref<1x79x128xi32, #tpu.memory_space<hbm>> -> memref<79x128xi32, #tpu.memory_space<hbm>>
      %dma_start3A_17 = arith.constant 0 : i32
      %dma_start3A_18 = arith.constant 0 : i32
      %dma_start3A_19 = tpu.memref_slice %arg4[%add3A, %dma_start3A_17, %dma_start3A_18] : memref<32x79x128xi32, #tpu.memory_space<hbm>> -> memref<1x79x128xi32, #tpu.memory_space<hbm>>
      %dma_start3A_20 = tpu.memref_squeeze %dma_start3A_19 : memref<1x79x128xi32, #tpu.memory_space<hbm>> -> memref<79x128xi32, #tpu.memory_space<hbm>>
      tpu.enqueue_dma source(%dma_start3A_20 : memref<79x128xi32, #tpu.memory_space<hbm>>) target(%arg8 : memref<79x128xi32, #tpu.memory_space<vmem>>) target_semaphore(%run_scoped3A : memref<!tpu.dma_semaphore, #tpu.memory_space<semaphore_mem>>)
      %dma_wait3A = arith.constant 0 : i32
      %dma_wait3A_21 = arith.constant 0 : i32
      %dma_wait3A_22 = tpu.memref_slice %arg4[%add3A, %dma_wait3A, %dma_wait3A_21] : memref<32x79x128xi32, #tpu.memory_space<hbm>> -> memref<1x79x128xi32, #tpu.memory_space<hbm>>
      %dma_wait3A_23 = tpu.memref_squeeze %dma_wait3A_22 : memref<1x79x128xi32, #tpu.memory_space<hbm>> -> memref<79x128xi32, #tpu.memory_space<hbm>>
      %dma_wait3A_24 = arith.constant 0 : i32
      %dma_wait3A_25 = arith.constant 0 : i32
      %dma_wait3A_26 = tpu.memref_slice %arg4[%add3A, %dma_wait3A_24, %dma_wait3A_25] : memref<32x79x128xi32, #tpu.memory_space<hbm>> -> memref<1x79x128xi32, #tpu.memory_space<hbm>>
      %dma_wait3A_27 = tpu.memref_squeeze %dma_wait3A_26 : memref<1x79x128xi32, #tpu.memory_space<hbm>> -> memref<79x128xi32, #tpu.memory_space<hbm>>
      tpu.wait_dma2 semaphore(%run_scoped3A : memref<!tpu.dma_semaphore, #tpu.memory_space<semaphore_mem>>) src(%dma_wait3A_27 : memref<79x128xi32, #tpu.memory_space<hbm>>) dst(%arg8 : memref<79x128xi32, #tpu.memory_space<vmem>>)
      tpu.yield
    }) : () -> ()
    %mul3A_1 = arith.constant 640 : i32
    %mul3A_2 = arith.muli %arg1, %mul3A_1 : i32
    "tpu.region"() ({
      %run_scoped3A = tpu.sem_alloc : memref<!tpu.dma_semaphore, #tpu.memory_space<semaphore_mem>>
      %dma_start3A = arith.constant 0 : i32
      %dma_start3A_14 = tpu.memref_slice %arg10[%mul3A_2, %dma_start3A] : memref<10240x128xf32, #tpu.memory_space<vmem_shared>> -> memref<640x128xf32, #tpu.memory_space<vmem_shared>>
      tpu.enqueue_dma source(%arg5 : memref<640x128xf32, #tpu.memory_space<hbm>>) target(%dma_start3A_14 : memref<640x128xf32, #tpu.memory_space<vmem_shared>>) target_semaphore(%run_scoped3A : memref<!tpu.dma_semaphore, #tpu.memory_space<semaphore_mem>>)
      %dma_wait3A = arith.constant 0 : i32
      %dma_wait3A_15 = tpu.memref_slice %arg10[%mul3A_2, %dma_wait3A] : memref<10240x128xf32, #tpu.memory_space<vmem_shared>> -> memref<640x128xf32, #tpu.memory_space<vmem_shared>>
      tpu.wait_dma2 semaphore(%run_scoped3A : memref<!tpu.dma_semaphore, #tpu.memory_space<semaphore_mem>>) src(%arg5 : memref<640x128xf32, #tpu.memory_space<hbm>>) dst(%dma_wait3A_15 : memref<640x128xf32, #tpu.memory_space<vmem_shared>>)
      tpu.yield
    }) : () -> ()
    %barrier3A = arith.constant 0 : index
    tpu.barrier barrier_id(%barrier3A)
    %scan3A = arith.constant 0 : i32
    %scan3A_3 = arith.constant 0 : i32
    %scan3A_4 = arith.constant 79 : i32
    %scan3A_5 = arith.addi %scan3A_3, %scan3A_4 : i32
    %scan3A_6 = arith.constant 1 : i32
    scf.for %scan3A_14 = %scan3A_3 to %scan3A_5 step %scan3A_6  : i32 {
      %dma_start3A = arith.constant 0 : i32
      %dma_start3A_15 = tpu.memref_slice %arg7[%scan3A_14, %dma_start3A] : memref<79x128xi32, #tpu.memory_space<vmem>> -> memref<1x128xi32, #tpu.memory_space<vmem>>
      %dma_start3A_16 = tpu.memref_squeeze %dma_start3A_15 : memref<1x128xi32, #tpu.memory_space<vmem>> -> memref<128xi32, #tpu.memory_space<vmem>>
      %dma_start3A_17 = arith.constant 0 : i32
      %dma_start3A_18 = arith.constant 0 : i32
      %dma_start3A_19 = tpu.memref_slice %arg2[%dma_start3A_17, %dma_start3A_18] : memref<10240x128xf32, #tpu.memory_space<hbm>> -> memref<10240x128xf32, #tpu.memory_space<hbm>>
      tpu.enqueue_indirect_dma source(%dma_start3A_19 : memref<10240x128xf32, #tpu.memory_space<hbm>>) target(%arg9 : memref<128x128xf32, #tpu.memory_space<vmem>>) offsets(%dma_start3A_16 : memref<128xi32, #tpu.memory_space<vmem>>) semaphore(%arg11 : memref<!tpu.dma_semaphore, #tpu.memory_space<semaphore_mem>>)
      %dma_wait3A = arith.constant 0 : i32
      %dma_wait3A_20 = tpu.memref_slice %arg7[%scan3A_14, %dma_wait3A] : memref<79x128xi32, #tpu.memory_space<vmem>> -> memref<1x128xi32, #tpu.memory_space<vmem>>
      %dma_wait3A_21 = tpu.memref_squeeze %dma_wait3A_20 : memref<1x128xi32, #tpu.memory_space<vmem>> -> memref<128xi32, #tpu.memory_space<vmem>>
      %dma_wait3A_22 = arith.constant 0 : i32
      %dma_wait3A_23 = arith.constant 0 : i32
      %dma_wait3A_24 = tpu.memref_slice %arg2[%dma_wait3A_22, %dma_wait3A_23] : memref<10240x128xf32, #tpu.memory_space<hbm>> -> memref<10240x128xf32, #tpu.memory_space<hbm>>
      tpu.wait_indirect_dma semaphore(%arg11 : memref<!tpu.dma_semaphore, #tpu.memory_space<semaphore_mem>>) src(%dma_wait3A_24 : memref<10240x128xf32, #tpu.memory_space<hbm>>) dst(%arg9 : memref<128x128xf32, #tpu.memory_space<vmem>>)
      "tpu.region"() ({
        %run_scoped3A = tpu.sem_alloc : memref<!tpu.dma_semaphore, #tpu.memory_space<semaphore_mem>>
        %dma_start3A_25 = arith.constant 0 : i32
        %dma_start3A_26 = tpu.memref_slice %arg8[%scan3A_14, %dma_start3A_25] : memref<79x128xi32, #tpu.memory_space<vmem>> -> memref<1x128xi32, #tpu.memory_space<vmem>>
        %dma_start3A_27 = tpu.memref_squeeze %dma_start3A_26 : memref<1x128xi32, #tpu.memory_space<vmem>> -> memref<128xi32, #tpu.memory_space<vmem>>
        %dma_start3A_28 = arith.constant 0 : i32
        %dma_start3A_29 = arith.constant 0 : i32
        %dma_start3A_30 = tpu.memref_slice %arg10[%dma_start3A_28, %dma_start3A_29] : memref<10240x128xf32, #tpu.memory_space<vmem_shared>> -> memref<10240x128xf32, #tpu.memory_space<vmem_shared>>
        tpu.enqueue_indirect_dma source(%arg9 : memref<128x128xf32, #tpu.memory_space<vmem>>) target(%dma_start3A_30 : memref<10240x128xf32, #tpu.memory_space<vmem_shared>>) offsets(%dma_start3A_27 : memref<128xi32, #tpu.memory_space<vmem>>) semaphore(%run_scoped3A : memref<!tpu.dma_semaphore, #tpu.memory_space<semaphore_mem>>) {add = true}
        %dma_wait3A_31 = arith.constant 0 : i32
        %dma_wait3A_32 = tpu.memref_slice %arg8[%scan3A_14, %dma_wait3A_31] : memref<79x128xi32, #tpu.memory_space<vmem>> -> memref<1x128xi32, #tpu.memory_space<vmem>>
        %dma_wait3A_33 = tpu.memref_squeeze %dma_wait3A_32 : memref<1x128xi32, #tpu.memory_space<vmem>> -> memref<128xi32, #tpu.memory_space<vmem>>
        %dma_wait3A_34 = arith.constant 0 : i32
        %dma_wait3A_35 = arith.constant 0 : i32
        %dma_wait3A_36 = tpu.memref_slice %arg10[%dma_wait3A_34, %dma_wait3A_35] : memref<10240x128xf32, #tpu.memory_space<vmem_shared>> -> memref<10240x128xf32, #tpu.memory_space<vmem_shared>>
        tpu.wait_indirect_dma semaphore(%run_scoped3A : memref<!tpu.dma_semaphore, #tpu.memory_space<semaphore_mem>>) src(%arg9 : memref<128x128xf32, #tpu.memory_space<vmem>>) dst(%dma_wait3A_36 : memref<10240x128xf32, #tpu.memory_space<vmem_shared>>)
        tpu.yield
      }) : () -> ()
    }
    %scan3A_7 = arith.constant 79 : i32
    %barrier3A_8 = arith.constant 0 : index
    tpu.barrier barrier_id(%barrier3A_8)
    %mul3A_9 = arith.constant 640 : i32
    %mul3A_10 = arith.muli %arg1, %mul3A_9 : i32
    %mul3A_11 = arith.constant 640 : i32
    %mul3A_12 = arith.muli %arg1, %mul3A_11 : i32
    "tpu.region"() ({
      %run_scoped3A = tpu.sem_alloc : memref<!tpu.dma_semaphore, #tpu.memory_space<semaphore_mem>>
      %dma_start3A = arith.constant 0 : i32
      %dma_start3A_14 = tpu.memref_slice %arg6[%arg0, %mul3A_12, %dma_start3A] : memref<2x10240x128xf32, #tpu.memory_space<hbm>> -> memref<1x640x128xf32, #tpu.memory_space<hbm>>
      %dma_start3A_15 = tpu.memref_squeeze %dma_start3A_14 : memref<1x640x128xf32, #tpu.memory_space<hbm>> -> memref<640x128xf32, #tpu.memory_space<hbm>>
      %dma_start3A_16 = arith.constant 0 : i32
      %dma_start3A_17 = tpu.memref_slice %arg10[%mul3A_10, %dma_start3A_16] : memref<10240x128xf32, #tpu.memory_space<vmem_shared>> -> memref<640x128xf32, #tpu.memory_space<vmem_shared>>
      tpu.enqueue_dma source(%dma_start3A_17 : memref<640x128xf32, #tpu.memory_space<vmem_shared>>) target(%dma_start3A_15 : memref<640x128xf32, #tpu.memory_space<hbm>>) target_semaphore(%run_scoped3A : memref<!tpu.dma_semaphore, #tpu.memory_space<semaphore_mem>>)
      %dma_wait3A = arith.constant 0 : i32
      %dma_wait3A_18 = tpu.memref_slice %arg6[%arg0, %mul3A_12, %dma_wait3A] : memref<2x10240x128xf32, #tpu.memory_space<hbm>> -> memref<1x640x128xf32, #tpu.memory_space<hbm>>
      %dma_wait3A_19 = tpu.memref_squeeze %dma_wait3A_18 : memref<1x640x128xf32, #tpu.memory_space<hbm>> -> memref<640x128xf32, #tpu.memory_space<hbm>>
      %dma_wait3A_20 = arith.constant 0 : i32
      %dma_wait3A_21 = tpu.memref_slice %arg10[%mul3A_10, %dma_wait3A_20] : memref<10240x128xf32, #tpu.memory_space<vmem_shared>> -> memref<640x128xf32, #tpu.memory_space<vmem_shared>>
      tpu.wait_dma2 semaphore(%run_scoped3A : memref<!tpu.dma_semaphore, #tpu.memory_space<semaphore_mem>>) src(%dma_wait3A_21 : memref<640x128xf32, #tpu.memory_space<vmem_shared>>) dst(%dma_wait3A_19 : memref<640x128xf32, #tpu.memory_space<hbm>>)
      tpu.yield
    }) : () -> ()
    %barrier3A_13 = arith.constant 0 : index
    tpu.barrier barrier_id(%barrier3A_13)
    return
  }
}

module attributes {stable_mosaic.version = 14 : i64} {
  func.func @_prep_body(%arg0: i32, %arg1: memref<2x512x128xf32, #tpu.memory_space<vmem>>, %arg2: memref<512x128xf32, #tpu.memory_space<vmem>>, %arg3: memref<512x128xf32, #tpu.memory_space<vmem>>, %arg4: memref<512x128xf32, #tpu.memory_space<vmem>>) attributes {dimension_semantics = [#tpu.dimension_semantics<arbitrary>], iteration_bounds = array<i64: 20>, scalar_prefetch = 0 : i64, scratch_operands = 0 : i64, tpu.core_type = #tpu.core_type<tc>, window_params = [{transform_indices = @transform_0, window_bounds = array<i64: 2, 512, 128>}, {transform_indices = @transform_1, window_bounds = array<i64: 512, 128>}, {transform_indices = @transform_2, window_bounds = array<i64: 512, 128>}, {transform_indices = @transform_3, window_bounds = array<i64: 512, 128>}]} {
    %get3A = arith.constant 0 : index
    %get3A_0 = arith.constant 0 : index
    %get3A_1 = arith.constant 0 : index
    %get3A_2 = vector.load %arg1[%get3A, %get3A_0, %get3A_1] : memref<2x512x128xf32, #tpu.memory_space<vmem>>, vector<1x512x128xf32>
    %get3A_3 = vector.shape_cast %get3A_2 : vector<1x512x128xf32> to vector<512x128xf32>
    %get3A_4 = arith.constant 1 : index
    %get3A_5 = arith.constant 0 : index
    %get3A_6 = arith.constant 0 : index
    %get3A_7 = vector.load %arg1[%get3A_4, %get3A_5, %get3A_6] : memref<2x512x128xf32, #tpu.memory_space<vmem>>, vector<1x512x128xf32>
    %get3A_8 = vector.shape_cast %get3A_7 : vector<1x512x128xf32> to vector<512x128xf32>
    %add3A = arith.addf %get3A_3, %get3A_8 : vector<512x128xf32>
    %add3A_9 = arith.constant 1.000000e+00 : f32
    %add3A_10 = vector.broadcast %add3A_9 : f32 to vector<512x128xf32>
    %add3A_11 = arith.addf %add3A, %add3A_10 : vector<512x128xf32>
    %rsqrt3A = math.rsqrt %add3A_11 : vector<512x128xf32>
    %slice3A = vector.extract_strided_slice %rsqrt3A {offsets = [0, 0], sizes = [512, 1], strides = [1, 1]} : vector<512x128xf32> to vector<512x1xf32>
    %get3A_12 = arith.constant 0 : index
    %get3A_13 = arith.constant 0 : index
    %get3A_14 = vector.load %arg2[%get3A_12, %get3A_13] : memref<512x128xf32, #tpu.memory_space<vmem>>, vector<512x128xf32>
    %mul3A = vector.broadcast %slice3A : vector<512x1xf32> to vector<512x128xf32>
    %mul3A_15 = arith.mulf %get3A_14, %mul3A : vector<512x128xf32>
    %swap3A = arith.constant 0 : index
    %swap3A_16 = arith.constant 0 : index
    %swap3A_17 = vector.load %arg3[%swap3A, %swap3A_16] : memref<512x128xf32, #tpu.memory_space<vmem>>, vector<512x128xf32>
    tpu.vector_store %arg3[%swap3A, %swap3A_16], %mul3A_15 {strides = array<i32>} : memref<512x128xf32, #tpu.memory_space<vmem>>, vector<512x128xf32>,
    %broadcast_in_dim3A = vector.shape_cast %slice3A : vector<512x1xf32> to vector<512x1xf32>
    %broadcast_in_dim3A_18 = vector.broadcast %broadcast_in_dim3A : vector<512x1xf32> to vector<512x128xf32>
    %swap3A_19 = arith.constant 0 : index
    %swap3A_20 = arith.constant 0 : index
    %swap3A_21 = vector.load %arg4[%swap3A_19, %swap3A_20] : memref<512x128xf32, #tpu.memory_space<vmem>>, vector<512x128xf32>
    tpu.vector_store %arg4[%swap3A_19, %swap3A_20], %broadcast_in_dim3A_18 {strides = array<i32>} : memref<512x128xf32, #tpu.memory_space<vmem>>, vector<512x128xf32>,
    return
  }
  func.func @transform_0(%arg0: i32) -> (i32, i32, i32) {
    %c0_i32 = arith.constant 0 : i32
    %c0_i32_0 = arith.constant 0 : i32
    %c0_i32_1 = arith.constant 0 : i32
    return %c0_i32, %arg0, %c0_i32_0 : i32, i32, i32
  }
  func.func @transform_1(%arg0: i32) -> (i32, i32) {
    %c0_i32 = arith.constant 0 : i32
    %c0_i32_0 = arith.constant 0 : i32
    return %arg0, %c0_i32 : i32, i32
  }
  func.func @transform_2(%arg0: i32) -> (i32, i32) {
    %c0_i32 = arith.constant 0 : i32
    %c0_i32_0 = arith.constant 0 : i32
    return %arg0, %c0_i32 : i32, i32
  }
  func.func @transform_3(%arg0: i32) -> (i32, i32) {
    %c0_i32 = arith.constant 0 : i32
    %c0_i32_0 = arith.constant 0 : i32
    return %arg0, %c0_i32 : i32, i32
  }
}

module attributes {stable_mosaic.version = 14 : i64} {
  func.func @_l12_body(%arg0: i32, %arg1: memref<2x256x128xf32, #tpu.memory_space<vmem>>, %arg2: memref<256x128xf32, #tpu.memory_space<vmem>>, %arg3: memref<256x128xf32, #tpu.memory_space<vmem>>, %arg4: memref<128x1024xf32, #tpu.memory_space<vmem>>, %arg5: memref<1x1024xf32, #tpu.memory_space<vmem>>, %arg6: memref<1024x512xf32, #tpu.memory_space<vmem>>, %arg7: memref<256x128xf32, #tpu.memory_space<vmem>>, %arg8: memref<256x128xf32, #tpu.memory_space<vmem>>, %arg9: memref<256x128xf32, #tpu.memory_space<vmem>>, %arg10: memref<256x128xf32, #tpu.memory_space<vmem>>) attributes {dimension_semantics = [#tpu.dimension_semantics<arbitrary>], iteration_bounds = array<i64: 40>, scalar_prefetch = 0 : i64, scratch_operands = 0 : i64, tpu.core_type = #tpu.core_type<tc>, window_params = [{transform_indices = @transform_0, window_bounds = array<i64: 2, 256, 128>}, {transform_indices = @transform_1, window_bounds = array<i64: 256, 128>}, {transform_indices = @transform_2, window_bounds = array<i64: 256, 128>}, {pipeline_mode = #tpu.pipeline_mode<synchronous>, transform_indices = @transform_3, window_bounds = array<i64: 128, 1024>}, {pipeline_mode = #tpu.pipeline_mode<synchronous>, transform_indices = @transform_4, window_bounds = array<i64: 1, 1024>}, {pipeline_mode = #tpu.pipeline_mode<synchronous>, transform_indices = @transform_5, window_bounds = array<i64: 1024, 512>}, {transform_indices = @transform_6, window_bounds = array<i64: 256, 128>}, {transform_indices = @transform_7, window_bounds = array<i64: 256, 128>}, {transform_indices = @transform_8, window_bounds = array<i64: 256, 128>}, {transform_indices = @transform_9, window_bounds = array<i64: 256, 128>}]} {
    %get3A = arith.constant 0 : index
    %get3A_0 = arith.constant 0 : index
    %get3A_1 = vector.load %arg3[%get3A, %get3A_0] : memref<256x128xf32, #tpu.memory_space<vmem>>, vector<256x128xf32>
    %slice3A = vector.extract_strided_slice %get3A_1 {offsets = [0, 0], sizes = [256, 1], strides = [1, 1]} : vector<256x128xf32> to vector<256x1xf32>
    %get3A_2 = arith.constant 0 : index
    %get3A_3 = arith.constant 0 : index
    %get3A_4 = vector.load %arg3[%get3A_2, %get3A_3] : memref<256x128xf32, #tpu.memory_space<vmem>>, vector<256x128xf32>
    %get3A_5 = arith.constant 0 : index
    %get3A_6 = arith.constant 0 : index
    %get3A_7 = arith.constant 0 : index
    %get3A_8 = vector.load %arg1[%get3A_5, %get3A_6, %get3A_7] : memref<2x256x128xf32, #tpu.memory_space<vmem>>, vector<1x256x128xf32>
    %get3A_9 = vector.shape_cast %get3A_8 : vector<1x256x128xf32> to vector<256x128xf32>
    %get3A_10 = arith.constant 1 : index
    %get3A_11 = arith.constant 0 : index
    %get3A_12 = arith.constant 0 : index
    %get3A_13 = vector.load %arg1[%get3A_10, %get3A_11, %get3A_12] : memref<2x256x128xf32, #tpu.memory_space<vmem>>, vector<1x256x128xf32>
    %get3A_14 = vector.shape_cast %get3A_13 : vector<1x256x128xf32> to vector<256x128xf32>
    %add3A = arith.addf %get3A_9, %get3A_14 : vector<256x128xf32>
    %get3A_15 = arith.constant 0 : index
    %get3A_16 = arith.constant 0 : index
    %get3A_17 = vector.load %arg2[%get3A_15, %get3A_16] : memref<256x128xf32, #tpu.memory_space<vmem>>, vector<256x128xf32>
    %add3A_18 = arith.addf %add3A, %get3A_17 : vector<256x128xf32>
    %mul3A = arith.mulf %get3A_4, %add3A_18 : vector<256x128xf32>
    %get3A_19 = arith.constant 0 : index
    %get3A_20 = arith.constant 0 : index
    %get3A_21 = vector.load %arg4[%get3A_19, %get3A_20] : memref<128x1024xf32, #tpu.memory_space<vmem>>, vector<128x1024xf32>
    %dot_general3A = arith.constant dense<0.000000e+00> : vector<256x1024xf32>
    %dot_general3A_22 = tpu.matmul %mul3A, %get3A_21, %dot_general3A {dimension_numbers = #tpu.dot_dimension_numbers<[1], [0], [0], [1], [0, 0, 1, 1], [], []>, transpose_lhs_hint = false} : vector<256x128xf32>, vector<128x1024xf32>, vector<256x1024xf32> -> vector<256x1024xf32>
    %get3A_23 = arith.constant 0 : index
    %get3A_24 = arith.constant 0 : index
    %get3A_25 = vector.load %arg5[%get3A_23, %get3A_24] : memref<1x1024xf32, #tpu.memory_space<vmem>>, vector<1x1024xf32>
    %add3A_26 = vector.broadcast %get3A_25 : vector<1x1024xf32> to vector<256x1024xf32>
    %add3A_27 = arith.addf %dot_general3A_22, %add3A_26 : vector<256x1024xf32>
    %max3A = arith.constant 0.000000e+00 : f32
    %max3A_28 = vector.broadcast %max3A : f32 to vector<256x1024xf32>
    %max3A_29 = arith.maximumf %add3A_27, %max3A_28 : vector<256x1024xf32>
    %get3A_30 = arith.constant 0 : index
    %get3A_31 = arith.constant 0 : index
    %get3A_32 = vector.load %arg6[%get3A_30, %get3A_31] : memref<1024x512xf32, #tpu.memory_space<vmem>>, vector<1024x512xf32>
    %dot_general3A_33 = arith.constant dense<0.000000e+00> : vector<256x512xf32>
    %dot_general3A_34 = tpu.matmul %max3A_29, %get3A_32, %dot_general3A_33 {dimension_numbers = #tpu.dot_dimension_numbers<[1], [0], [0], [1], [0, 0, 1, 1], [], []>, transpose_lhs_hint = false} : vector<256x1024xf32>, vector<1024x512xf32>, vector<256x512xf32> -> vector<256x512xf32>
    %mul3A_35 = vector.broadcast %slice3A : vector<256x1xf32> to vector<256x512xf32>
    %mul3A_36 = arith.mulf %dot_general3A_34, %mul3A_35 : vector<256x512xf32>
    %slice3A_37 = vector.extract_strided_slice %mul3A_36 {offsets = [0, 0], sizes = [256, 128], strides = [1, 1]} : vector<256x512xf32> to vector<256x128xf32>
    %swap3A = arith.constant 0 : index
    %swap3A_38 = arith.constant 0 : index
    %swap3A_39 = vector.load %arg7[%swap3A, %swap3A_38] : memref<256x128xf32, #tpu.memory_space<vmem>>, vector<256x128xf32>
    tpu.vector_store %arg7[%swap3A, %swap3A_38], %slice3A_37 {strides = array<i32>} : memref<256x128xf32, #tpu.memory_space<vmem>>, vector<256x128xf32>,
    %slice3A_40 = vector.extract_strided_slice %mul3A_36 {offsets = [0, 128], sizes = [256, 128], strides = [1, 1]} : vector<256x512xf32> to vector<256x128xf32>
    %swap3A_41 = arith.constant 0 : index
    %swap3A_42 = arith.constant 0 : index
    %swap3A_43 = vector.load %arg8[%swap3A_41, %swap3A_42] : memref<256x128xf32, #tpu.memory_space<vmem>>, vector<256x128xf32>
    tpu.vector_store %arg8[%swap3A_41, %swap3A_42], %slice3A_40 {strides = array<i32>} : memref<256x128xf32, #tpu.memory_space<vmem>>, vector<256x128xf32>,
    %slice3A_44 = vector.extract_strided_slice %mul3A_36 {offsets = [0, 256], sizes = [256, 128], strides = [1, 1]} : vector<256x512xf32> to vector<256x128xf32>
    %swap3A_45 = arith.constant 0 : index
    %swap3A_46 = arith.constant 0 : index
    %swap3A_47 = vector.load %arg9[%swap3A_45, %swap3A_46] : memref<256x128xf32, #tpu.memory_space<vmem>>, vector<256x128xf32>
    tpu.vector_store %arg9[%swap3A_45, %swap3A_46], %slice3A_44 {strides = array<i32>} : memref<256x128xf32, #tpu.memory_space<vmem>>, vector<256x128xf32>,
    %slice3A_48 = vector.extract_strided_slice %mul3A_36 {offsets = [0, 384], sizes = [256, 128], strides = [1, 1]} : vector<256x512xf32> to vector<256x128xf32>
    %swap3A_49 = arith.constant 0 : index
    %swap3A_50 = arith.constant 0 : index
    %swap3A_51 = vector.load %arg10[%swap3A_49, %swap3A_50] : memref<256x128xf32, #tpu.memory_space<vmem>>, vector<256x128xf32>
    tpu.vector_store %arg10[%swap3A_49, %swap3A_50], %slice3A_48 {strides = array<i32>} : memref<256x128xf32, #tpu.memory_space<vmem>>, vector<256x128xf32>,
    return
  }
  func.func @transform_0(%arg0: i32) -> (i32, i32, i32) {
    %c0_i32 = arith.constant 0 : i32
    %c0_i32_0 = arith.constant 0 : i32
    %c0_i32_1 = arith.constant 0 : i32
    return %c0_i32, %arg0, %c0_i32_0 : i32, i32, i32
  }
  func.func @transform_1(%arg0: i32) -> (i32, i32) {
    %c0_i32 = arith.constant 0 : i32
    %c0_i32_0 = arith.constant 0 : i32
    return %arg0, %c0_i32 : i32, i32
  }
  func.func @transform_2(%arg0: i32) -> (i32, i32) {
    %c0_i32 = arith.constant 0 : i32
    %c0_i32_0 = arith.constant 0 : i32
    return %arg0, %c0_i32 : i32, i32
  }
  func.func @transform_3(%arg0: i32) -> (i32, i32) {
    %c0_i32 = arith.constant 0 : i32
    %c0_i32_0 = arith.constant 0 : i32
    %c0_i32_1 = arith.constant 0 : i32
    return %c0_i32, %c0_i32_0 : i32, i32
  }
  func.func @transform_4(%arg0: i32) -> (i32, i32) {
    %c0_i32 = arith.constant 0 : i32
    %c0_i32_0 = arith.constant 0 : i32
    %c0_i32_1 = arith.constant 0 : i32
    return %c0_i32, %c0_i32_0 : i32, i32
  }
  func.func @transform_5(%arg0: i32) -> (i32, i32) {
    %c0_i32 = arith.constant 0 : i32
    %c0_i32_0 = arith.constant 0 : i32
    %c0_i32_1 = arith.constant 0 : i32
    return %c0_i32, %c0_i32_0 : i32, i32
  }
  func.func @transform_6(%arg0: i32) -> (i32, i32) {
    %c0_i32 = arith.constant 0 : i32
    %c0_i32_0 = arith.constant 0 : i32
    return %arg0, %c0_i32 : i32, i32
  }
  func.func @transform_7(%arg0: i32) -> (i32, i32) {
    %c0_i32 = arith.constant 0 : i32
    %c0_i32_0 = arith.constant 0 : i32
    return %arg0, %c0_i32 : i32, i32
  }
  func.func @transform_8(%arg0: i32) -> (i32, i32) {
    %c0_i32 = arith.constant 0 : i32
    %c0_i32_0 = arith.constant 0 : i32
    return %arg0, %c0_i32 : i32, i32
  }
  func.func @transform_9(%arg0: i32) -> (i32, i32) {
    %c0_i32 = arith.constant 0 : i32
    %c0_i32_0 = arith.constant 0 : i32
    return %arg0, %c0_i32 : i32, i32
  }
}

module attributes {stable_mosaic.version = 14 : i64} {
  func.func @_l3_body(%arg0: i32, %arg1: memref<2x256x128xf32, #tpu.memory_space<vmem>>, %arg2: memref<2x256x128xf32, #tpu.memory_space<vmem>>, %arg3: memref<2x256x128xf32, #tpu.memory_space<vmem>>, %arg4: memref<2x256x128xf32, #tpu.memory_space<vmem>>, %arg5: memref<256x128xf32, #tpu.memory_space<vmem>>, %arg6: memref<256x128xf32, #tpu.memory_space<vmem>>, %arg7: memref<256x128xf32, #tpu.memory_space<vmem>>, %arg8: memref<256x128xf32, #tpu.memory_space<vmem>>, %arg9: memref<256x128xf32, #tpu.memory_space<vmem>>, %arg10: memref<1x512xf32, #tpu.memory_space<vmem>>, %arg11: memref<512x128xf32, #tpu.memory_space<vmem>>, %arg12: memref<256x128xf32, #tpu.memory_space<vmem>>) attributes {dimension_semantics = [#tpu.dimension_semantics<arbitrary>], iteration_bounds = array<i64: 40>, scalar_prefetch = 0 : i64, scratch_operands = 0 : i64, tpu.core_type = #tpu.core_type<tc>, window_params = [{transform_indices = @transform_0, window_bounds = array<i64: 2, 256, 128>}, {transform_indices = @transform_1, window_bounds = array<i64: 2, 256, 128>}, {transform_indices = @transform_2, window_bounds = array<i64: 2, 256, 128>}, {transform_indices = @transform_3, window_bounds = array<i64: 2, 256, 128>}, {transform_indices = @transform_4, window_bounds = array<i64: 256, 128>}, {transform_indices = @transform_5, window_bounds = array<i64: 256, 128>}, {transform_indices = @transform_6, window_bounds = array<i64: 256, 128>}, {transform_indices = @transform_7, window_bounds = array<i64: 256, 128>}, {transform_indices = @transform_8, window_bounds = array<i64: 256, 128>}, {pipeline_mode = #tpu.pipeline_mode<synchronous>, transform_indices = @transform_9, window_bounds = array<i64: 1, 512>}, {pipeline_mode = #tpu.pipeline_mode<synchronous>, transform_indices = @transform_10, window_bounds = array<i64: 512, 128>}, {transform_indices = @transform_11, window_bounds = array<i64: 256, 128>}]} {
    %get3A = arith.constant 0 : index
    %get3A_0 = arith.constant 0 : index
    %get3A_1 = vector.load %arg9[%get3A, %get3A_0] : memref<256x128xf32, #tpu.memory_space<vmem>>, vector<256x128xf32>
    %slice3A = vector.extract_strided_slice %get3A_1 {offsets = [0, 0], sizes = [256, 1], strides = [1, 1]} : vector<256x128xf32> to vector<256x1xf32>
    %get3A_2 = arith.constant 0 : index
    %get3A_3 = arith.constant 0 : index
    %get3A_4 = arith.constant 0 : index
    %get3A_5 = vector.load %arg1[%get3A_2, %get3A_3, %get3A_4] : memref<2x256x128xf32, #tpu.memory_space<vmem>>, vector<1x256x128xf32>
    %get3A_6 = vector.shape_cast %get3A_5 : vector<1x256x128xf32> to vector<256x128xf32>
    %get3A_7 = arith.constant 1 : index
    %get3A_8 = arith.constant 0 : index
    %get3A_9 = arith.constant 0 : index
    %get3A_10 = vector.load %arg1[%get3A_7, %get3A_8, %get3A_9] : memref<2x256x128xf32, #tpu.memory_space<vmem>>, vector<1x256x128xf32>
    %get3A_11 = vector.shape_cast %get3A_10 : vector<1x256x128xf32> to vector<256x128xf32>
    %add3A = arith.addf %get3A_6, %get3A_11 : vector<256x128xf32>
    %get3A_12 = arith.constant 0 : index
    %get3A_13 = arith.constant 0 : index
    %get3A_14 = vector.load %arg5[%get3A_12, %get3A_13] : memref<256x128xf32, #tpu.memory_space<vmem>>, vector<256x128xf32>
    %add3A_15 = arith.addf %add3A, %get3A_14 : vector<256x128xf32>
    %get3A_16 = arith.constant 0 : index
    %get3A_17 = arith.constant 0 : index
    %get3A_18 = arith.constant 0 : index
    %get3A_19 = vector.load %arg2[%get3A_16, %get3A_17, %get3A_18] : memref<2x256x128xf32, #tpu.memory_space<vmem>>, vector<1x256x128xf32>
    %get3A_20 = vector.shape_cast %get3A_19 : vector<1x256x128xf32> to vector<256x128xf32>
    %get3A_21 = arith.constant 1 : index
    %get3A_22 = arith.constant 0 : index
    %get3A_23 = arith.constant 0 : index
    %get3A_24 = vector.load %arg2[%get3A_21, %get3A_22, %get3A_23] : memref<2x256x128xf32, #tpu.memory_space<vmem>>, vector<1x256x128xf32>
    %get3A_25 = vector.shape_cast %get3A_24 : vector<1x256x128xf32> to vector<256x128xf32>
    %add3A_26 = arith.addf %get3A_20, %get3A_25 : vector<256x128xf32>
    %get3A_27 = arith.constant 0 : index
    %get3A_28 = arith.constant 0 : index
    %get3A_29 = vector.load %arg6[%get3A_27, %get3A_28] : memref<256x128xf32, #tpu.memory_space<vmem>>, vector<256x128xf32>
    %add3A_30 = arith.addf %add3A_26, %get3A_29 : vector<256x128xf32>
    %get3A_31 = arith.constant 0 : index
    %get3A_32 = arith.constant 0 : index
    %get3A_33 = arith.constant 0 : index
    %get3A_34 = vector.load %arg3[%get3A_31, %get3A_32, %get3A_33] : memref<2x256x128xf32, #tpu.memory_space<vmem>>, vector<1x256x128xf32>
    %get3A_35 = vector.shape_cast %get3A_34 : vector<1x256x128xf32> to vector<256x128xf32>
    %get3A_36 = arith.constant 1 : index
    %get3A_37 = arith.constant 0 : index
    %get3A_38 = arith.constant 0 : index
    %get3A_39 = vector.load %arg3[%get3A_36, %get3A_37, %get3A_38] : memref<2x256x128xf32, #tpu.memory_space<vmem>>, vector<1x256x128xf32>
    %get3A_40 = vector.shape_cast %get3A_39 : vector<1x256x128xf32> to vector<256x128xf32>
    %add3A_41 = arith.addf %get3A_35, %get3A_40 : vector<256x128xf32>
    %get3A_42 = arith.constant 0 : index
    %get3A_43 = arith.constant 0 : index
    %get3A_44 = vector.load %arg7[%get3A_42, %get3A_43] : memref<256x128xf32, #tpu.memory_space<vmem>>, vector<256x128xf32>
    %add3A_45 = arith.addf %add3A_41, %get3A_44 : vector<256x128xf32>
    %get3A_46 = arith.constant 0 : index
    %get3A_47 = arith.constant 0 : index
    %get3A_48 = arith.constant 0 : index
    %get3A_49 = vector.load %arg4[%get3A_46, %get3A_47, %get3A_48] : memref<2x256x128xf32, #tpu.memory_space<vmem>>, vector<1x256x128xf32>
    %get3A_50 = vector.shape_cast %get3A_49 : vector<1x256x128xf32> to vector<256x128xf32>
    %get3A_51 = arith.constant 1 : index
    %get3A_52 = arith.constant 0 : index
    %get3A_53 = arith.constant 0 : index
    %get3A_54 = vector.load %arg4[%get3A_51, %get3A_52, %get3A_53] : memref<2x256x128xf32, #tpu.memory_space<vmem>>, vector<1x256x128xf32>
    %get3A_55 = vector.shape_cast %get3A_54 : vector<1x256x128xf32> to vector<256x128xf32>
    %add3A_56 = arith.addf %get3A_50, %get3A_55 : vector<256x128xf32>
    %get3A_57 = arith.constant 0 : index
    %get3A_58 = arith.constant 0 : index
    %get3A_59 = vector.load %arg8[%get3A_57, %get3A_58] : memref<256x128xf32, #tpu.memory_space<vmem>>, vector<256x128xf32>
    %add3A_60 = arith.addf %add3A_56, %get3A_59 : vector<256x128xf32>
    %concatenate3A = tpu.concatenate %add3A_15, %add3A_30, %add3A_45, %add3A_60 in 1 : vector<256x128xf32>, vector<256x128xf32>, vector<256x128xf32>, vector<256x128xf32> -> vector<256x512xf32>
    %mul3A = vector.broadcast %slice3A : vector<256x1xf32> to vector<256x512xf32>
    %mul3A_61 = arith.mulf %mul3A, %concatenate3A : vector<256x512xf32>
    %get3A_62 = arith.constant 0 : index
    %get3A_63 = arith.constant 0 : index
    %get3A_64 = vector.load %arg10[%get3A_62, %get3A_63] : memref<1x512xf32, #tpu.memory_space<vmem>>, vector<1x512xf32>
    %add3A_65 = vector.broadcast %get3A_64 : vector<1x512xf32> to vector<256x512xf32>
    %add3A_66 = arith.addf %mul3A_61, %add3A_65 : vector<256x512xf32>
    %max3A = arith.constant 0.000000e+00 : f32
    %max3A_67 = vector.broadcast %max3A : f32 to vector<256x512xf32>
    %max3A_68 = arith.maximumf %add3A_66, %max3A_67 : vector<256x512xf32>
    %get3A_69 = arith.constant 0 : index
    %get3A_70 = arith.constant 0 : index
    %get3A_71 = vector.load %arg11[%get3A_69, %get3A_70] : memref<512x128xf32, #tpu.memory_space<vmem>>, vector<512x128xf32>
    %dot_general3A = arith.constant dense<0.000000e+00> : vector<256x128xf32>
    %dot_general3A_72 = tpu.matmul %max3A_68, %get3A_71, %dot_general3A {dimension_numbers = #tpu.dot_dimension_numbers<[1], [0], [0], [1], [0, 0, 1, 1], [], []>, transpose_lhs_hint = false} : vector<256x512xf32>, vector<512x128xf32>, vector<256x128xf32> -> vector<256x128xf32>
    %mul3A_73 = vector.broadcast %slice3A : vector<256x1xf32> to vector<256x128xf32>
    %mul3A_74 = arith.mulf %dot_general3A_72, %mul3A_73 : vector<256x128xf32>
    %swap3A = arith.constant 0 : index
    %swap3A_75 = arith.constant 0 : index
    %swap3A_76 = vector.load %arg12[%swap3A, %swap3A_75] : memref<256x128xf32, #tpu.memory_space<vmem>>, vector<256x128xf32>
    tpu.vector_store %arg12[%swap3A, %swap3A_75], %mul3A_74 {strides = array<i32>} : memref<256x128xf32, #tpu.memory_space<vmem>>, vector<256x128xf32>,
    return
  }
  func.func @transform_0(%arg0: i32) -> (i32, i32, i32) {
    %c0_i32 = arith.constant 0 : i32
    %c0_i32_0 = arith.constant 0 : i32
    %c0_i32_1 = arith.constant 0 : i32
    return %c0_i32, %arg0, %c0_i32_0 : i32, i32, i32
  }
  func.func @transform_1(%arg0: i32) -> (i32, i32, i32) {
    %c0_i32 = arith.constant 0 : i32
    %c0_i32_0 = arith.constant 0 : i32
    %c0_i32_1 = arith.constant 0 : i32
    return %c0_i32, %arg0, %c0_i32_0 : i32, i32, i32
  }
  func.func @transform_2(%arg0: i32) -> (i32, i32, i32) {
    %c0_i32 = arith.constant 0 : i32
    %c0_i32_0 = arith.constant 0 : i32
    %c0_i32_1 = arith.constant 0 : i32
    return %c0_i32, %arg0, %c0_i32_0 : i32, i32, i32
  }
  func.func @transform_3(%arg0: i32) -> (i32, i32, i32) {
    %c0_i32 = arith.constant 0 : i32
    %c0_i32_0 = arith.constant 0 : i32
    %c0_i32_1 = arith.constant 0 : i32
    return %c0_i32, %arg0, %c0_i32_0 : i32, i32, i32
  }
  func.func @transform_4(%arg0: i32) -> (i32, i32) {
    %c0_i32 = arith.constant 0 : i32
    %c0_i32_0 = arith.constant 0 : i32
    return %arg0, %c0_i32 : i32, i32
  }
  func.func @transform_5(%arg0: i32) -> (i32, i32) {
    %c0_i32 = arith.constant 0 : i32
    %c0_i32_0 = arith.constant 0 : i32
    return %arg0, %c0_i32 : i32, i32
  }
  func.func @transform_6(%arg0: i32) -> (i32, i32) {
    %c0_i32 = arith.constant 0 : i32
    %c0_i32_0 = arith.constant 0 : i32
    return %arg0, %c0_i32 : i32, i32
  }
  func.func @transform_7(%arg0: i32) -> (i32, i32) {
    %c0_i32 = arith.constant 0 : i32
    %c0_i32_0 = arith.constant 0 : i32
    return %arg0, %c0_i32 : i32, i32
  }
  func.func @transform_8(%arg0: i32) -> (i32, i32) {
    %c0_i32 = arith.constant 0 : i32
    %c0_i32_0 = arith.constant 0 : i32
    return %arg0, %c0_i32 : i32, i32
  }
  func.func @transform_9(%arg0: i32) -> (i32, i32) {
    %c0_i32 = arith.constant 0 : i32
    %c0_i32_0 = arith.constant 0 : i32
    %c0_i32_1 = arith.constant 0 : i32
    return %c0_i32, %c0_i32_0 : i32, i32
  }
  func.func @transform_10(%arg0: i32) -> (i32, i32) {
    %c0_i32 = arith.constant 0 : i32
    %c0_i32_0 = arith.constant 0 : i32
    %c0_i32_1 = arith.constant 0 : i32
    return %c0_i32, %c0_i32_0 : i32, i32
  }
  func.func @transform_11(%arg0: i32) -> (i32, i32) {
    %c0_i32 = arith.constant 0 : i32
    %c0_i32_0 = arith.constant 0 : i32
    return %arg0, %c0_i32 : i32, i32
  }
}

module attributes {stable_mosaic.version = 14 : i64} {
  func.func @_l4_body(%arg0: i32, %arg1: memref<2x256x128xf32, #tpu.memory_space<vmem>>, %arg2: memref<256x128xf32, #tpu.memory_space<vmem>>, %arg3: memref<256x128xf32, #tpu.memory_space<vmem>>, %arg4: memref<1x128xf32, #tpu.memory_space<vmem>>, %arg5: memref<128x64xf32, #tpu.memory_space<vmem>>, %arg6: memref<1x64xf32, #tpu.memory_space<vmem>>, %arg7: memref<256x64xf32, #tpu.memory_space<vmem>>) attributes {dimension_semantics = [#tpu.dimension_semantics<arbitrary>], iteration_bounds = array<i64: 40>, scalar_prefetch = 0 : i64, scratch_operands = 0 : i64, tpu.core_type = #tpu.core_type<tc>, window_params = [{transform_indices = @transform_0, window_bounds = array<i64: 2, 256, 128>}, {transform_indices = @transform_1, window_bounds = array<i64: 256, 128>}, {transform_indices = @transform_2, window_bounds = array<i64: 256, 128>}, {pipeline_mode = #tpu.pipeline_mode<synchronous>, transform_indices = @transform_3, window_bounds = array<i64: 1, 128>}, {pipeline_mode = #tpu.pipeline_mode<synchronous>, transform_indices = @transform_4, window_bounds = array<i64: 128, 64>}, {pipeline_mode = #tpu.pipeline_mode<synchronous>, transform_indices = @transform_5, window_bounds = array<i64: 1, 64>}, {transform_indices = @transform_6, window_bounds = array<i64: 256, 64>}]} {
    %get3A = arith.constant 0 : index
    %get3A_0 = arith.constant 0 : index
    %get3A_1 = vector.load %arg3[%get3A, %get3A_0] : memref<256x128xf32, #tpu.memory_space<vmem>>, vector<256x128xf32>
    %slice3A = vector.extract_strided_slice %get3A_1 {offsets = [0, 0], sizes = [256, 1], strides = [1, 1]} : vector<256x128xf32> to vector<256x1xf32>
    %get3A_2 = arith.constant 0 : index
    %get3A_3 = arith.constant 0 : index
    %get3A_4 = arith.constant 0 : index
    %get3A_5 = vector.load %arg1[%get3A_2, %get3A_3, %get3A_4] : memref<2x256x128xf32, #tpu.memory_space<vmem>>, vector<1x256x128xf32>
    %get3A_6 = vector.shape_cast %get3A_5 : vector<1x256x128xf32> to vector<256x128xf32>
    %get3A_7 = arith.constant 1 : index
    %get3A_8 = arith.constant 0 : index
    %get3A_9 = arith.constant 0 : index
    %get3A_10 = vector.load %arg1[%get3A_7, %get3A_8, %get3A_9] : memref<2x256x128xf32, #tpu.memory_space<vmem>>, vector<1x256x128xf32>
    %get3A_11 = vector.shape_cast %get3A_10 : vector<1x256x128xf32> to vector<256x128xf32>
    %add3A = arith.addf %get3A_6, %get3A_11 : vector<256x128xf32>
    %get3A_12 = arith.constant 0 : index
    %get3A_13 = arith.constant 0 : index
    %get3A_14 = vector.load %arg2[%get3A_12, %get3A_13] : memref<256x128xf32, #tpu.memory_space<vmem>>, vector<256x128xf32>
    %add3A_15 = arith.addf %add3A, %get3A_14 : vector<256x128xf32>
    %mul3A = vector.broadcast %slice3A : vector<256x1xf32> to vector<256x128xf32>
    %mul3A_16 = arith.mulf %mul3A, %add3A_15 : vector<256x128xf32>
    %get3A_17 = arith.constant 0 : index
    %get3A_18 = arith.constant 0 : index
    %get3A_19 = vector.load %arg4[%get3A_17, %get3A_18] : memref<1x128xf32, #tpu.memory_space<vmem>>, vector<1x128xf32>
    %add3A_20 = vector.broadcast %get3A_19 : vector<1x128xf32> to vector<256x128xf32>
    %add3A_21 = arith.addf %mul3A_16, %add3A_20 : vector<256x128xf32>
    %max3A = arith.constant 0.000000e+00 : f32
    %max3A_22 = vector.broadcast %max3A : f32 to vector<256x128xf32>
    %max3A_23 = arith.maximumf %add3A_21, %max3A_22 : vector<256x128xf32>
    %get3A_24 = arith.constant 0 : index
    %get3A_25 = arith.constant 0 : index
    %get3A_26 = vector.load %arg5[%get3A_24, %get3A_25] : memref<128x64xf32, #tpu.memory_space<vmem>>, vector<128x64xf32>
    %dot_general3A = arith.constant dense<0.000000e+00> : vector<256x64xf32>
    %dot_general3A_27 = tpu.matmul %max3A_23, %get3A_26, %dot_general3A {dimension_numbers = #tpu.dot_dimension_numbers<[1], [0], [0], [1], [0, 0, 1, 1], [], []>, transpose_lhs_hint = false} : vector<256x128xf32>, vector<128x64xf32>, vector<256x64xf32> -> vector<256x64xf32>
    %get3A_28 = arith.constant 0 : index
    %get3A_29 = arith.constant 0 : index
    %get3A_30 = vector.load %arg6[%get3A_28, %get3A_29] : memref<1x64xf32, #tpu.memory_space<vmem>>, vector<1x64xf32>
    %add3A_31 = vector.broadcast %get3A_30 : vector<1x64xf32> to vector<256x64xf32>
    %add3A_32 = arith.addf %dot_general3A_27, %add3A_31 : vector<256x64xf32>
    %reduce_max3A = arith.constant dense<0xFF800000> : vector<256xf32>
    %reduce_max3A_33 = vector.multi_reduction <maximumf>, %add3A_32, %reduce_max3A [1] : vector<256x64xf32> to vector<256xf32>
    %broadcast_in_dim3A = vector.shape_cast %reduce_max3A_33 : vector<256xf32> to vector<256x1xf32>
    %sub3A = vector.broadcast %broadcast_in_dim3A : vector<256x1xf32> to vector<256x64xf32>
    %sub3A_34 = arith.subf %add3A_32, %sub3A : vector<256x64xf32>
    %exp3A = math.exp %sub3A_34 : vector<256x64xf32>
    %reduce_sum3A = arith.constant dense<0.000000e+00> : vector<256xf32>
    %reduce_sum3A_35 = vector.multi_reduction <add>, %exp3A, %reduce_sum3A [1] : vector<256x64xf32> to vector<256xf32>
    %broadcast_in_dim3A_36 = vector.shape_cast %reduce_sum3A_35 : vector<256xf32> to vector<256x1xf32>
    %log3A = math.log %broadcast_in_dim3A_36 : vector<256x1xf32>
    %add3A_37 = arith.addf %broadcast_in_dim3A, %log3A : vector<256x1xf32>
    %sub3A_38 = vector.broadcast %add3A_37 : vector<256x1xf32> to vector<256x64xf32>
    %sub3A_39 = arith.subf %add3A_32, %sub3A_38 : vector<256x64xf32>
    %swap3A = arith.constant 0 : index
    %swap3A_40 = arith.constant 0 : index
    %swap3A_41 = vector.load %arg7[%swap3A, %swap3A_40] : memref<256x64xf32, #tpu.memory_space<vmem>>, vector<256x64xf32>
    tpu.vector_store %arg7[%swap3A, %swap3A_40], %sub3A_39 {strides = array<i32>} : memref<256x64xf32, #tpu.memory_space<vmem>>, vector<256x64xf32>,
    return
  }
  func.func @transform_0(%arg0: i32) -> (i32, i32, i32) {
    %c0_i32 = arith.constant 0 : i32
    %c0_i32_0 = arith.constant 0 : i32
    %c0_i32_1 = arith.constant 0 : i32
    return %c0_i32, %arg0, %c0_i32_0 : i32, i32, i32
  }
  func.func @transform_1(%arg0: i32) -> (i32, i32) {
    %c0_i32 = arith.constant 0 : i32
    %c0_i32_0 = arith.constant 0 : i32
    return %arg0, %c0_i32 : i32, i32
  }
  func.func @transform_2(%arg0: i32) -> (i32, i32) {
    %c0_i32 = arith.constant 0 : i32
    %c0_i32_0 = arith.constant 0 : i32
    return %arg0, %c0_i32 : i32, i32
  }
  func.func @transform_3(%arg0: i32) -> (i32, i32) {
    %c0_i32 = arith.constant 0 : i32
    %c0_i32_0 = arith.constant 0 : i32
    %c0_i32_1 = arith.constant 0 : i32
    return %c0_i32, %c0_i32_0 : i32, i32
  }
  func.func @transform_4(%arg0: i32) -> (i32, i32) {
    %c0_i32 = arith.constant 0 : i32
    %c0_i32_0 = arith.constant 0 : i32
    %c0_i32_1 = arith.constant 0 : i32
    return %c0_i32, %c0_i32_0 : i32, i32
  }
  func.func @transform_5(%arg0: i32) -> (i32, i32) {
    %c0_i32 = arith.constant 0 : i32
    %c0_i32_0 = arith.constant 0 : i32
    %c0_i32_1 = arith.constant 0 : i32
    return %c0_i32, %c0_i32_0 : i32, i32
  }
  func.func @transform_6(%arg0: i32) -> (i32, i32) {
    %c0_i32 = arith.constant 0 : i32
    %c0_i32_0 = arith.constant 0 : i32
    return %arg0, %c0_i32 : i32, i32
  }
}

</mosaic_0001>

<sc_bundles>
// kernel: kernel.10.cloned.1.call-start
scs
__scs_entry_jumppad:
0x0: {  	(pc) =	sbr.rel $0x88, $3  }
0x1: {  	(tag) =	ssettag $0x0;
	lr =	simm.s32 $0x1  }
0x2: {  	[smem:$0x3F97] =	sst lr;
	_ =	strace $0xD0000000  }
0x3: {  	_ = 	snop  }
0x4: {  	_ = 	snop  }
0x5: {  	_ = 	snop  }
0x6: {  	_ = 	snop  }
0x7: {  	_ = 	snop  }
__scs_overlays_trampoline_lowered:
0x8: {  	[smem:$0x3FA6] =	sst s0  }
0x9: {  	[smem:$0x3FA7] =	sst s1  }
0xa: {  	[smem:$0x3FA8] =	sst s2  }
0xb: {  	[smem:$0x3FA9] =	sst s3  }
0xc: {  	[smem:$0x3FAA] =	sst s4  }
0xd: {  	[smem:$0x3FAB] =	sst s5  }
0xe: {  	[smem:$0x3FAC] =	sst s6  }
0xf: {  	[smem:$0x3FAD] =	sst s7  }
0x10: {  	[smem:$0x3FAE] =	sst s8  }
0x11: {  	[smem:$0x3FAF] =	sst s9;
	s0 =	simm.s32 @!p0 $0x0  }
0x12: {  	s1 =	sld [smem:$0x3F95];
	s0 =	simm.s32 @p0 $0x1  }
0x13: {  	[smem:$0x3FB0] =	sst s0;
	s0 =	simm.s32 @!p1 $0x0  }
0x14: {  	s2 =	sld [smem:$0x3F94];
	s0 =	simm.s32 @p1 $0x1  }
0x15: {  	[smem:$0x3FB1] =	sst s0;
	s0 =	simm.s32 @!p2 $0x0  }
0x16: {  	s3 =	sld [smem:$0x3FDB];
	s0 =	simm.s32 @p2 $0x1  }
0x17: {  	s4 =	simm.s32 $0x1BF5;
	[smem:$0x3FB3] =	sst s0  }
0x18: {  	s0 =	sld [smem:$0x3F96];
	_ =	swait.ge [sflag:s4], $0x0  }
0x19: {  	s7 =	sld [smem:$0x3F97]  }
0x1a: {  	s8 =	sadd.s32 $0xFFFFE003, lr  }
0x1b: {  	s9 =	sadd.s32 $0xFFFFFEF7, lr;
	s5 =	simm.s32 $0xFFFFFFFF;
	p2 =	slt.u32 s8, $0xFFFFF086  }
0x1c: {  	p1 =	slt.u32 s9, $0xF7A;
	s5 =	simm.s32 @!p2 $0x0  }
0x1d: {  	s5 =	simm.s32 @p1 $0x1;
	p0 =	seq.s32 s7, s2  }
0x1e: {  	s7 =	smul.u32 @!p0 $0xF7A, s2;
	p2 =	seq.s32 @!p0 s5, $0x0  }
0x1f: {  	s9 =	smul.u32 $0xF7A, s1;
	s8 =	simm.s32 @!p0 $0x1BF5;
	p2 =	por !p2, p0  }
0x20: {  	[sflag:s8] =	ssyncset.s32 @!p0 $0xFFFFF086;
	s6 =	sadd.s32 @!p0 s3, s7;
	s7 =	simm.s32 @!p0 $0x108  }
0x21: {  	s3 =	sadd.s32 s3, s9;
	s6 =	sadd.s32 @!p0 $0x88, s6;
	s7 =	simm.s32 @p2 $0x1082  }
0x22: {  	[simem:s7], [sflag:s8] =	dma.local @!p0 [hbm:s6], $0xF7A  }
0x23: {  	s9 =	sor.u32 $0xD0000000, s2;
	s6 =	simm.s32 $0x108;
	_ =	swait.ge @!p0 [sflag:s8], $0x0  }
0x24: {  	s3 =	sadd.s32 $0x88, s3;
	s6 =	simm.s32 @!p1 $0x1082;
	[sflag:s4] =	ssyncset.s32 $0xFFFFF086  }
0x25: {  	[simem:s6], [sflag:s4] =	dma.local [hbm:s3], $0xF7A  }
0x26: {  	[smem:$0x3F97] =	sst s1;
	(tag) =	ssettag s2;
	_ =	strace s9  }
0x27: {  	s1 =	sld [smem:$0x3FA7]  }
0x28: {  	s2 =	sld [smem:$0x3FA8]  }
0x29: {  	s4 =	sld [smem:$0x3FAA]  }
0x2a: {  	p0 =	seq.s32 s5, $0x0;
	s5 =	sld [smem:$0x3FAB]  }
0x2b: {  	s6 =	sld [smem:$0x3FAC]  }
0x2c: {  	s7 =	sld [smem:$0x3FAD]  }
0x2d: {  	s3 =	simm.s32 $0x108;
	s8 =	sld [smem:$0x3FAE]  }
0x2e: {  	s3 =	simm.s32 @!p0 $0x1082;
	s9 =	sld [smem:$0x3FAF]  }
0x2f: {  	lr =	sadd.s32 s0, s3;
	s0 =	sld [smem:$0x3FA6]  }
0x30: {  	s3 =	sld [smem:$0x3FA9]  }
0x31: {  	[smem:$0x3FB2] =	sst s10  }
0x32: {  	s10 =	sld [smem:$0x3FB0];
	_ =	sdelay $0x3  }
0x33: {  	p0 =	seq.s32 s10, $0x1;
	s10 =	sld [smem:$0x3FB2];
	_ =	sdelay $0x3  }
0x34: {  	[smem:$0x3FB2] =	sst s10  }
0x35: {  	s10 =	sld [smem:$0x3FB1];
	_ =	sdelay $0x3  }
0x36: {  	p1 =	seq.s32 s10, $0x1;
	s10 =	sld [smem:$0x3FB2];
	_ =	sdelay $0x3  }
0x37: {  	[smem:$0x3FB2] =	sst s10  }
0x38: {  	s10 =	sld [smem:$0x3FB3]  }
0x39: {  	_ = 	snop;
	(pc) =	sbr.ind lr, $3  }
0x3a: {  	_ = 	snop  }
0x3b: {  	_ = 	snop  }
0x3c: {  	p2 =	seq.s32 s10, $0x1;
	s10 =	sld [smem:$0x3FB2]  }
0x3d: {  	_ =	shalt  }
0x3e: {  	_ =	shalt  }
0x3f: {  	_ =	shalt  }
0x40: {  	_ =	shalt  }
0x41: {  	_ =	shalt  }
0x42: {  	_ =	shalt  }
0x43: {  	_ =	shalt  }
0x44: {  	_ =	shalt  }
0x45: {  	_ =	shalt  }
0x46: {  	_ =	shalt  }
0x47: {  	_ =	shalt  }
0x48: {  	_ =	shalt  }
0x49: {  	_ =	shalt  }
0x4a: {  	_ =	shalt  }
0x4b: {  	_ =	shalt  }
0x4c: {  	_ =	shalt  }
0x4d: {  	_ =	shalt  }
0x4e: {  	_ =	shalt  }
0x4f: {  	_ =	shalt  }
0x50: {  	_ =	shalt  }
0x51: {  	_ =	shalt  }
0x52: {  	_ =	shalt  }
0x53: {  	_ =	shalt  }
0x54: {  	_ =	shalt  }
0x55: {  	_ =	shalt  }
0x56: {  	_ =	shalt  }
0x57: {  	_ =	shalt  }
0x58: {  	_ =	shalt  }
0x59: {  	_ =	shalt  }
0x5a: {  	_ =	shalt  }
0x5b: {  	_ =	shalt  }
0x5c: {  	_ =	shalt  }
0x5d: {  	_ =	shalt  }
0x5e: {  	_ =	shalt  }
0x5f: {  	_ =	shalt  }
0x60: {  	_ =	shalt  }
0x61: {  	_ =	shalt  }
0x62: {  	_ =	shalt  }
0x63: {  	_ =	shalt  }
0x64: {  	_ =	shalt  }
0x65: {  	_ =	shalt  }
0x66: {  	_ =	shalt  }
0x67: {  	_ =	shalt  }
0x68: {  	_ =	shalt  }
0x69: {  	_ =	shalt  }
0x6a: {  	_ =	shalt  }
0x6b: {  	_ =	shalt  }
0x6c: {  	_ =	shalt  }
0x6d: {  	_ =	shalt  }
0x6e: {  	_ =	shalt  }
0x6f: {  	_ =	shalt  }
0x70: {  	_ =	shalt  }
0x71: {  	_ =	shalt  }
0x72: {  	_ =	shalt  }
0x73: {  	_ =	shalt  }
0x74: {  	_ =	shalt  }
0x75: {  	_ =	shalt  }
0x76: {  	_ =	shalt  }
0x77: {  	_ =	shalt  }
0x78: {  	_ =	shalt  }
0x79: {  	_ =	shalt  }
0x7a: {  	_ =	shalt  }
0x7b: {  	_ =	shalt  }
0x7c: {  	_ =	shalt  }
0x7d: {  	_ =	shalt  }
0x7e: {  	_ =	shalt  }
0x7f: {  	_ =	shalt  }
0x80: {  	_ =	shalt  }
0x81: {  	_ =	shalt  }
0x82: {  	_ =	shalt  }
0x83: {  	_ =	shalt  }
0x84: {  	_ =	shalt  }
0x85: {  	_ =	shalt  }
0x86: {  	_ =	shalt  }
0x87: {  	_ =	shalt  }
.Lfunc_end0:
.L_simem_size_0:
called_computation_lowered:
.L_overlay_start_0:
0x88: {  	s2 =	sld [smem:$0x3FD9]  }
0x89: {  	s3 =	sld [smem:$0x3FFE];
	_ =	sdelay $0x1  }
0x8a: {  	s1 =	srdreg.scid  }
0x8b: {  	s0 =	sand.u32 $0x1, s1  }
0x8c: {  	s17 =	sshll.u32 s0, $0xA;
	s2 =	sadd.s32 s3, s2  }
0x8d: {  	s2 =	sadd.s32 s2, s17  }
0x8e: {  	[smem:$0x3FBE] =	sst s2  }
0x8f: {  	_ = 	snop  }
0x90: {  	s2 =	sld [smem:$0x3FD0];
	(tm) =	ssettm $0x1  }
0x91: {  	s18 =	sld [smem:$0x3FFB];
	_ =	sdelay $0x3  }
0x92: {  	_ =	strace s18  }
0x93: {  	s3 =	sld [smem:$0x3FFC];
	_ =	sdelay $0x3  }
0x94: {  	_ =	strace s3  }
0x95: {  	s3 =	sld [smem:$0x3FFD];
	_ =	sdelay $0x3  }
0x96: {  	_ =	strace s3  }
0x97: {  	_ =	strace $0x8FFFFFFF  }
0x98: {  	s19 =	sld [smem:$0x3FDB];
	_ =	sdelay $0x1  }
0x99: {  	s4 =	simm.s32 $_scs_section_size  }
0x9a: {  	s5 =	simm.s32 $_size__tile_overlayer_lowered;
	s6 =	simm.s32 $_tile_overlayer_lowered  }
0x9b: {  	s22 =	simm.s32 $0x1BFF;
	s21 =	sshll.u32 s6, $0x1;
	s3 =	sadd.s32 s4, s19  }
0x9c: {  	s7 =	simm.s32 $0x0;
	s20 =	sshll.u32 s5, $0x1;
	s5 =	sadd.s32 s21, s3  }
0x9d: {  	[timem:s7], [sflag:s22] =	dma.local [hbm:s5], s20  }
0x9e: {  	_ =	swait.ge [sflag:s22], s20  }
0x9f: {  	s4 =	ssub.s32 $0x0, s20;
	[sflag:s22] =	ssyncset.done $0x0  }
0xa0: {  	[sflag:s22] =	ssyncadd.s32 s4;
	_ =	sdelay $0x1  }
0xa1: {  	s23 =	simm.s32 $0x1B8B  }
0xa2: {  	_ =	swait.ge [sflag:s23], $0x1  }
0xa3: {  	[sflag:s23] =	ssyncset.done $0x0  }
0xa4: {  	s25 =	simm.s32 $0x1B8E;
	s24 =	sld [smem:$0x3FFE];
	[sflag:s23] =	ssyncadd.s32 $0xFFFFFFFF  }
0xa5: {  	s26 =	simm.s32 $execute0_lowered;
	[smem:$0x3FD2] =	sst s25  }
0xa6: {  	s5 =	sshll.u32 s26, $0x1;
	_ =	strace $0x80000046;
	[dreg:$0x1] =	wrdreg $0xFFFFFFFF  }
0xa7: {  	s28 =	simm.s32 $_size_execute0_lowered;
	s3 =	sadd.s32 s3, s5;
	[dreg:$0x0] =	wrdreg $0x0  }
0xa8: {  	s5 =	sshll.u32 s28, $0x1;
	[dreg:$0x2] =	wrdreg s3  }
0xa9: {  	[dreg:$0x3] =	wrdreg s5  }
0xaa: {  	[dreg:$0x4] =	wrdreg $0xC0  }
0xab: {  	_ =	task [dreg:s7], $0x5FFFF  }
0xac: {  	[dreg:$0x1] =	wrdreg $0xFFFFFFFF  }
0xad: {  	[dreg:$0x0] =	wrdreg $0x60  }
0xae: {  	[dreg:$0x2] =	wrdreg s2  }
0xaf: {  	[dreg:$0x3] =	wrdreg s24  }
0xb0: {  	[dreg:$0x4] =	wrdreg $0x68000  }
0xb1: {  	[dreg:$0x5] =	wrdreg $0x9  }
0xb2: {  	_ =	task.clear_ibuf [dreg:s7], $0x6FFFF;
	_ =	strace $0x90000046  }
0xb3: {  	s29 =	simm.s32 $0x9;
	_ =	strace $0x80000048  }
0xb4: {  	_ =	swait.ge [sflag:s29], $0x1  }
0xb5: {  	[sflag:s29] =	ssyncadd.s32 $0xFFFFFFFF  }
0xb6: {  	_ =	strace $0x90000048  }
0xb7: {  	_ =	sfence  }
0xb8: {  	s30 =	sld [smem:$0x0];
	_ =	sdelay $0x2  }
0xb9: {  	s31 =	sshll.u32 s1, $0xD;
	s1 =	sshrl.u32 s1, $0x2  }
0xba: {  	s3 =	sand.u32 $0x4000, s31;
	s1 =	sadd.s32 s1, s30  }
0xbb: {  	s0 =	sor.u32 s3, s0;
	s1 =	sshll.u32 s1, $0x11  }
0xbc: {  	s0 =	sor.u32 s1, s0  }
0xbd: {  	s0 =	sadd.s32 $0x8F2B, s0  }
0xbe: {  	[sflag:s0] =	ssyncadd.remote.s32 $0x1  }
0xbf: {  	_ =	sfence.sel $0xFFFF  }
0xc0: {  	[dreg:$0x0] =	wrdreg $0xFFFFFFFF;
	(pc) =	sbr.abs _section_cstart, $3  }
0xc1: {  	[dreg:$0x1] =	wrdreg $0xFFFFFFFF  }
0xc2: {  	_ =	task.clear_ibuf [dreg:s7], $0x2FFFF;
	_ =	strace $0x9FFFFFFF  }
0xc3: {  	(tm) =	ssettm $0x7FFFFFFF  }
tec
execute0_lowered:
.L_overlay_start_1:
0x0: {  	(tag) =	ssettag $0x1  }
0x1: {  	s6 =	rddreg [dreg:$0x0]  }
0x2: {  	s7 =	rddreg [dreg:$0x1]  }
0x3: {  	s1 =	rddreg [dreg:$0x2]  }
0x4: {  	s0 =	rddreg [dreg:$0x3];
	s3 =	simm.s32 $0x0;
	s2 =	srdreg.scid  }
0x5: {  	s13 =	simm.s32 $0x80;
	[smem:$0x7FF] =	sst s3;
	s8 =	sand.u32 $0x1, s2  }
0x6: {  	s14 =	simm.s32 $0x0;
	s2 =	stileid.u32;
	s9 =	smul.u32 $0x140000, s8  }
0x7: {  	s4 =	sadd.s32 $0x11E00, s7;
	s5 =	sadd.s32 $0xF600, s7;
	s10 =	smul.u32 $0x14000, s2  }
0x8: {  	_ =	strace $0x80000047;
	s11 =	sshll.u32 s8, $0x4;
	s29 =	smul.u32 $0x50000, s2  }
0x9: {  	s8 =	ssub.s32 $0x2, s8;
	s31 =	sshll.u32 s2, $0x6;
	s28 =	sor.u32 s2, s11  }
0xa: {  	s30 =	sshrl.u32 s8, $0x1;
	s9 =	sadd.s32 s10, s9;
	s10 =	smul.u32 $0x500, s28  }
0xb: {  	s11 =	sshrl.u32 s29, $0x2;
	s8 =	ssub.s32 s8, s30;
	s9 =	sshrl.u32 s9, $0x3  }
0xc: {  	s12 =	sadd.s32 s11, s1;
	s8 =	smax.u32 s8, $0x1;
	s11 =	sor.u32 $0x1C01, s31  }
0xd: {  	s7 =	sadd.s32 s9, s7;
	s6 =	sadd.s32 s6, s10;
	s9 =	simm.s32 $0x1  }
0xe: {  	s10 =	simm.s32 $0x2800;
	s12 =	sshrl.u32 s12, $0x3;
	s7 =	sadd.s32 $0x12600, s7  }
.LBB2_1:
0xf: {  	[tilespmem:s3], [sflag:$0x1] =	stream.linear.gather [hbm4b:s6+s3], $0x2780, $0x38;
	[tilespmem:$0x1A800] =	vst v63  }
0x10: {  	_ =	swait.ge [sflag:s9], $0x2780  }
0x11: {  	[sflag:s9] =	ssyncset.done $0x0  }
0x12: {  	[sflag:s9] =	ssyncadd.s32 $0xFFFFD880  }
0x13: {  	[tilespmem:s10], [sflag:$0x1] =	stream.linear.gather [hbm4b:s4+s3], $0x4000, $0x38;
	[tilespmem:$0x1A800] =	vst v63  }
0x14: {  	_ =	swait.ge [sflag:s9], $0x4000  }
0x15: {  	[sflag:s9] =	ssyncset.done $0x0  }
0x16: {  	[sflag:s9] =	ssyncadd.s32 $0xFFFFC000  }
0x17: {  	[spmem:s12], [sflag:s11] =	dma.local [hbm:s5], $0x2800  }
0x18: {  	_ =	swait.ge [sflag:s9], $0x2800  }
0x19: {  	[sflag:s9] =	ssyncset.done $0x0  }
0x1a: {  	[sflag:s9] =	ssyncadd.s32 $0xFFFFD800  }
0x1b: {  	s15 =	simm.s32 $0x0;
	[bflag:$0x0] =	sbarrier.arrive $0xFFFF  }
0x1c: {  	[spmem:s1] =	stream.indirect.scatter.add.f32 [tilespmem:s10], [sflag:$0x1], $0x80, s15, s13, $0xb8;
	[tilespmem:$0x1A800] =	vst v63  }
0x1d: {  	_ =	swait.ge [sflag:s9], $0x4000  }
0x1e: {  	s15 =	simm.s32 $0x200;
	[sflag:s9] =	ssyncset.done $0x0  }
.LBB2_2:
0x1f: {  	s16 =	sshra.s32 s15, $0x2;
	[sflag:s9] =	ssyncadd.s32 $0xFFFFC000;
	p0 =	sne.s32 s15, $0x9C00  }
0x20: {  	[spmem:s1] =	stream.indirect.scatter.add.f32 [tilespmem:s10], [sflag:$0x1], $0x80, s16, s13, $0xb8;
	[tilespmem:$0x1A800] =	vst v63  }
.Ltmp0:
0x21: {  	_ = 	snop;
	(pc) =	sbr.rel @p0 .LBB2_2-.Ltmp0, $4  }
0x22: {  	_ = 	snop  }
0x23: {  	s15 =	sadd.s32 $0x200, s15  }
0x24: {  	_ =	swait.ge [sflag:s9], $0x4000  }
0x25: {  	[sflag:s9] =	ssyncset.done $0x0  }
0x26: {  	s14 =	sadd.s32 $0x1, s14  }
0x27: {  	[sflag:s9] =	ssyncadd.s32 $0xFFFFC000;
	p0 =	sne.s32 s14, s8  }
.Ltmp1:
0x28: {  	[bflag:$0x0] =	sbarrier.arrive $0xFFFF;
	(pc) =	sbr.rel @p0 .LBB2_1-.Ltmp1, $4  }
0x29: {  	[hbm:s7], [sflag:s11] =	dma.local [spmem:s12], $0x2800  }
0x2a: {  	_ =	swait.ge [sflag:s9], $0x2800  }
0x2b: {  	[sflag:s9] =	ssyncset.done $0x0  }
0x2c: {  	[sflag:s9] =	ssyncadd.s32 $0xFFFFD800  }
0x2d: {  	_ =	sfence.sel $0x180000  }
0x2e: {  	[bflag:$0x0] =	sbarrier.arrive $0xFFFF  }
0x2f: {  	p0 =	sne.s32 s2, $0x0;
	_ =	strace $0x90000047  }
0x30: {  	s0 =	sadd.s32 @!p0 $0x100000, s0;
	[bflag:$0x2] =	sbarrier.arrive $0xFFFF  }
0x31: {  	[sflag:s0] =	ssyncadd.tile.s32 @!p0 $0x1;
	_ =	shalt  }
.Lfunc_end2:
_tile_overlayer_lowered:
.L_overlay_start_2:
0x32: {  	(tag) =	ssettag $0x2  }
0x33: {  	s0 =	rddreg [dreg:$0x0];
	s2 =	stileid.u32  }
0x34: {  	s1 =	rddreg [dreg:$0x1];
	p0 =	sne.s32 s2, $0x0  }
0x35: {  	s3 =	rddreg [dreg:$0x2];
	[bflag:$0x3] =	sbarrier.arrive $0xFFFF;
	s2 =	simm.s32 @!p0 $0x1C01  }
0x36: {  	[timem:s3], [sflag:s2] =	dma.local @!p0 [hbm:s0], s1  }
0x37: {  	s0 =	simm.s32 @!p0 $0x1  }
0x38: {  	_ =	swait.ge @!p0 [sflag:s0], s1  }
0x39: {  	s1 =	ssub.s32 @!p0 $0x0, s1;
	[sflag:s0] =	ssyncset.done @!p0 $0x0  }
0x3a: {  	[sflag:s0] =	ssyncadd.s32 @!p0 s1  }
0x3b: {  	[bflag:$0x3] =	sbarrier.arrive $0xFFFF  }
0x3c: {  	_ =	shalt  }

// kernel: kernel.13.cloned.1.call-start
scs
__scs_entry_jumppad:
0x0: {  	(pc) =	sbr.rel $0x88, $3  }
0x1: {  	(tag) =	ssettag $0x0;
	lr =	simm.s32 $0x1  }
0x2: {  	[smem:$0x3F97] =	sst lr;
	_ =	strace $0xD0000000  }
0x3: {  	_ = 	snop  }
0x4: {  	_ = 	snop  }
0x5: {  	_ = 	snop  }
0x6: {  	_ = 	snop  }
0x7: {  	_ = 	snop  }
__scs_overlays_trampoline_lowered:
0x8: {  	[smem:$0x3FA6] =	sst s0  }
0x9: {  	[smem:$0x3FA7] =	sst s1  }
0xa: {  	[smem:$0x3FA8] =	sst s2  }
0xb: {  	[smem:$0x3FA9] =	sst s3  }
0xc: {  	[smem:$0x3FAA] =	sst s4  }
0xd: {  	[smem:$0x3FAB] =	sst s5  }
0xe: {  	[smem:$0x3FAC] =	sst s6  }
0xf: {  	[smem:$0x3FAD] =	sst s7  }
0x10: {  	[smem:$0x3FAE] =	sst s8  }
0x11: {  	[smem:$0x3FAF] =	sst s9;
	s0 =	simm.s32 @!p0 $0x0  }
0x12: {  	s1 =	sld [smem:$0x3F95];
	s0 =	simm.s32 @p0 $0x1  }
0x13: {  	[smem:$0x3FB0] =	sst s0;
	s0 =	simm.s32 @!p1 $0x0  }
0x14: {  	s2 =	sld [smem:$0x3F94];
	s0 =	simm.s32 @p1 $0x1  }
0x15: {  	[smem:$0x3FB1] =	sst s0;
	s0 =	simm.s32 @!p2 $0x0  }
0x16: {  	s3 =	sld [smem:$0x3FDB];
	s0 =	simm.s32 @p2 $0x1  }
0x17: {  	s4 =	simm.s32 $0x1BF5;
	[smem:$0x3FB3] =	sst s0  }
0x18: {  	s0 =	sld [smem:$0x3F96];
	_ =	swait.ge [sflag:s4], $0x0  }
0x19: {  	s7 =	sld [smem:$0x3F97]  }
0x1a: {  	s8 =	sadd.s32 $0xFFFFE003, lr  }
0x1b: {  	s9 =	sadd.s32 $0xFFFFFEF7, lr;
	s5 =	simm.s32 $0xFFFFFFFF;
	p2 =	slt.u32 s8, $0xFFFFF086  }
0x1c: {  	p1 =	slt.u32 s9, $0xF7A;
	s5 =	simm.s32 @!p2 $0x0  }
0x1d: {  	s5 =	simm.s32 @p1 $0x1;
	p0 =	seq.s32 s7, s2  }
0x1e: {  	s7 =	smul.u32 @!p0 $0xF7A, s2;
	p2 =	seq.s32 @!p0 s5, $0x0  }
0x1f: {  	s9 =	smul.u32 $0xF7A, s1;
	s8 =	simm.s32 @!p0 $0x1BF5;
	p2 =	por !p2, p0  }
0x20: {  	[sflag:s8] =	ssyncset.s32 @!p0 $0xFFFFF086;
	s6 =	sadd.s32 @!p0 s3, s7;
	s7 =	simm.s32 @!p0 $0x108  }
0x21: {  	s3 =	sadd.s32 s3, s9;
	s6 =	sadd.s32 @!p0 $0x88, s6;
	s7 =	simm.s32 @p2 $0x1082  }
0x22: {  	[simem:s7], [sflag:s8] =	dma.local @!p0 [hbm:s6], $0xF7A  }
0x23: {  	s9 =	sor.u32 $0xD0000000, s2;
	s6 =	simm.s32 $0x108;
	_ =	swait.ge @!p0 [sflag:s8], $0x0  }
0x24: {  	s3 =	sadd.s32 $0x88, s3;
	s6 =	simm.s32 @!p1 $0x1082;
	[sflag:s4] =	ssyncset.s32 $0xFFFFF086  }
0x25: {  	[simem:s6], [sflag:s4] =	dma.local [hbm:s3], $0xF7A  }
0x26: {  	[smem:$0x3F97] =	sst s1;
	(tag) =	ssettag s2;
	_ =	strace s9  }
0x27: {  	s1 =	sld [smem:$0x3FA7]  }
0x28: {  	s2 =	sld [smem:$0x3FA8]  }
0x29: {  	s4 =	sld [smem:$0x3FAA]  }
0x2a: {  	p0 =	seq.s32 s5, $0x0;
	s5 =	sld [smem:$0x3FAB]  }
0x2b: {  	s6 =	sld [smem:$0x3FAC]  }
0x2c: {  	s7 =	sld [smem:$0x3FAD]  }
0x2d: {  	s3 =	simm.s32 $0x108;
	s8 =	sld [smem:$0x3FAE]  }
0x2e: {  	s3 =	simm.s32 @!p0 $0x1082;
	s9 =	sld [smem:$0x3FAF]  }
0x2f: {  	lr =	sadd.s32 s0, s3;
	s0 =	sld [smem:$0x3FA6]  }
0x30: {  	s3 =	sld [smem:$0x3FA9]  }
0x31: {  	[smem:$0x3FB2] =	sst s10  }
0x32: {  	s10 =	sld [smem:$0x3FB0];
	_ =	sdelay $0x3  }
0x33: {  	p0 =	seq.s32 s10, $0x1;
	s10 =	sld [smem:$0x3FB2];
	_ =	sdelay $0x3  }
0x34: {  	[smem:$0x3FB2] =	sst s10  }
0x35: {  	s10 =	sld [smem:$0x3FB1];
	_ =	sdelay $0x3  }
0x36: {  	p1 =	seq.s32 s10, $0x1;
	s10 =	sld [smem:$0x3FB2];
	_ =	sdelay $0x3  }
0x37: {  	[smem:$0x3FB2] =	sst s10  }
0x38: {  	s10 =	sld [smem:$0x3FB3]  }
0x39: {  	_ = 	snop;
	(pc) =	sbr.ind lr, $3  }
0x3a: {  	_ = 	snop  }
0x3b: {  	_ = 	snop  }
0x3c: {  	p2 =	seq.s32 s10, $0x1;
	s10 =	sld [smem:$0x3FB2]  }
0x3d: {  	_ =	shalt  }
0x3e: {  	_ =	shalt  }
0x3f: {  	_ =	shalt  }
0x40: {  	_ =	shalt  }
0x41: {  	_ =	shalt  }
0x42: {  	_ =	shalt  }
0x43: {  	_ =	shalt  }
0x44: {  	_ =	shalt  }
0x45: {  	_ =	shalt  }
0x46: {  	_ =	shalt  }
0x47: {  	_ =	shalt  }
0x48: {  	_ =	shalt  }
0x49: {  	_ =	shalt  }
0x4a: {  	_ =	shalt  }
0x4b: {  	_ =	shalt  }
0x4c: {  	_ =	shalt  }
0x4d: {  	_ =	shalt  }
0x4e: {  	_ =	shalt  }
0x4f: {  	_ =	shalt  }
0x50: {  	_ =	shalt  }
0x51: {  	_ =	shalt  }
0x52: {  	_ =	shalt  }
0x53: {  	_ =	shalt  }
0x54: {  	_ =	shalt  }
0x55: {  	_ =	shalt  }
0x56: {  	_ =	shalt  }
0x57: {  	_ =	shalt  }
0x58: {  	_ =	shalt  }
0x59: {  	_ =	shalt  }
0x5a: {  	_ =	shalt  }
0x5b: {  	_ =	shalt  }
0x5c: {  	_ =	shalt  }
0x5d: {  	_ =	shalt  }
0x5e: {  	_ =	shalt  }
0x5f: {  	_ =	shalt  }
0x60: {  	_ =	shalt  }
0x61: {  	_ =	shalt  }
0x62: {  	_ =	shalt  }
0x63: {  	_ =	shalt  }
0x64: {  	_ =	shalt  }
0x65: {  	_ =	shalt  }
0x66: {  	_ =	shalt  }
0x67: {  	_ =	shalt  }
0x68: {  	_ =	shalt  }
0x69: {  	_ =	shalt  }
0x6a: {  	_ =	shalt  }
0x6b: {  	_ =	shalt  }
0x6c: {  	_ =	shalt  }
0x6d: {  	_ =	shalt  }
0x6e: {  	_ =	shalt  }
0x6f: {  	_ =	shalt  }
0x70: {  	_ =	shalt  }
0x71: {  	_ =	shalt  }
0x72: {  	_ =	shalt  }
0x73: {  	_ =	shalt  }
0x74: {  	_ =	shalt  }
0x75: {  	_ =	shalt  }
0x76: {  	_ =	shalt  }
0x77: {  	_ =	shalt  }
0x78: {  	_ =	shalt  }
0x79: {  	_ =	shalt  }
0x7a: {  	_ =	shalt  }
0x7b: {  	_ =	shalt  }
0x7c: {  	_ =	shalt  }
0x7d: {  	_ =	shalt  }
0x7e: {  	_ =	shalt  }
0x7f: {  	_ =	shalt  }
0x80: {  	_ =	shalt  }
0x81: {  	_ =	shalt  }
0x82: {  	_ =	shalt  }
0x83: {  	_ =	shalt  }
0x84: {  	_ =	shalt  }
0x85: {  	_ =	shalt  }
0x86: {  	_ =	shalt  }
0x87: {  	_ =	shalt  }
.Lfunc_end0:
.L_simem_size_0:
called_computation.1_lowered:
.L_overlay_start_0:
0x88: {  	s2 =	sld [smem:$0x3FD9]  }
0x89: {  	s3 =	sld [smem:$0x3FFE];
	_ =	sdelay $0x1  }
0x8a: {  	s1 =	srdreg.scid  }
0x8b: {  	s0 =	sand.u32 $0x1, s1  }
0x8c: {  	s17 =	sshll.u32 s0, $0xA;
	s2 =	sadd.s32 s3, s2  }
0x8d: {  	s2 =	sadd.s32 s2, s17  }
0x8e: {  	[smem:$0x3FBE] =	sst s2  }
0x8f: {  	_ = 	snop  }
0x90: {  	s2 =	sld [smem:$0x3FD0];
	(tm) =	ssettm $0x1  }
0x91: {  	s18 =	sld [smem:$0x3FFB];
	_ =	sdelay $0x3  }
0x92: {  	_ =	strace s18  }
0x93: {  	s3 =	sld [smem:$0x3FFC];
	_ =	sdelay $0x3  }
0x94: {  	_ =	strace s3  }
0x95: {  	s3 =	sld [smem:$0x3FFD];
	_ =	sdelay $0x3  }
0x96: {  	_ =	strace s3  }
0x97: {  	_ =	strace $0x8FFFFFFF  }
0x98: {  	s19 =	sld [smem:$0x3FDB];
	_ =	sdelay $0x1  }
0x99: {  	s4 =	simm.s32 $_scs_section_size  }
0x9a: {  	s5 =	simm.s32 $_size__tile_overlayer_lowered;
	s6 =	simm.s32 $_tile_overlayer_lowered  }
0x9b: {  	s22 =	simm.s32 $0x1BFF;
	s21 =	sshll.u32 s6, $0x1;
	s3 =	sadd.s32 s4, s19  }
0x9c: {  	s7 =	simm.s32 $0x0;
	s20 =	sshll.u32 s5, $0x1;
	s5 =	sadd.s32 s21, s3  }
0x9d: {  	[timem:s7], [sflag:s22] =	dma.local [hbm:s5], s20  }
0x9e: {  	_ =	swait.ge [sflag:s22], s20  }
0x9f: {  	s4 =	ssub.s32 $0x0, s20;
	[sflag:s22] =	ssyncset.done $0x0  }
0xa0: {  	[sflag:s22] =	ssyncadd.s32 s4;
	_ =	sdelay $0x1  }
0xa1: {  	s23 =	simm.s32 $0x1B8B  }
0xa2: {  	_ =	swait.ge [sflag:s23], $0x1  }
0xa3: {  	[sflag:s23] =	ssyncset.done $0x0  }
0xa4: {  	s25 =	simm.s32 $0x1B8E;
	s24 =	sld [smem:$0x3FFE];
	[sflag:s23] =	ssyncadd.s32 $0xFFFFFFFF  }
0xa5: {  	s26 =	simm.s32 $execute0_lowered;
	[smem:$0x3FD2] =	sst s25  }
0xa6: {  	s5 =	sshll.u32 s26, $0x1;
	_ =	strace $0x80000049;
	[dreg:$0x1] =	wrdreg $0xFFFFFFFF  }
0xa7: {  	s28 =	simm.s32 $_size_execute0_lowered;
	s3 =	sadd.s32 s3, s5;
	[dreg:$0x0] =	wrdreg $0x0  }
0xa8: {  	s5 =	sshll.u32 s28, $0x1;
	[dreg:$0x2] =	wrdreg s3  }
0xa9: {  	[dreg:$0x3] =	wrdreg s5  }
0xaa: {  	[dreg:$0x4] =	wrdreg $0xC0  }
0xab: {  	_ =	task [dreg:s7], $0x5FFFF  }
0xac: {  	[dreg:$0x1] =	wrdreg $0xFFFFFFFF  }
0xad: {  	[dreg:$0x0] =	wrdreg $0x60  }
0xae: {  	[dreg:$0x2] =	wrdreg s24  }
0xaf: {  	[dreg:$0x3] =	wrdreg s2  }
0xb0: {  	[dreg:$0x4] =	wrdreg $0x90000  }
0xb1: {  	[dreg:$0x5] =	wrdreg $0x9  }
0xb2: {  	_ =	task.clear_ibuf [dreg:s7], $0x6FFFF;
	_ =	strace $0x90000049  }
0xb3: {  	s29 =	simm.s32 $0x9;
	_ =	strace $0x8000004B  }
0xb4: {  	_ =	swait.ge [sflag:s29], $0x1  }
0xb5: {  	[sflag:s29] =	ssyncadd.s32 $0xFFFFFFFF  }
0xb6: {  	_ =	strace $0x9000004B  }
0xb7: {  	_ =	sfence  }
0xb8: {  	s30 =	sld [smem:$0x0];
	_ =	sdelay $0x2  }
0xb9: {  	s31 =	sshll.u32 s1, $0xD;
	s1 =	sshrl.u32 s1, $0x2  }
0xba: {  	s3 =	sand.u32 $0x4000, s31;
	s1 =	sadd.s32 s1, s30  }
0xbb: {  	s0 =	sor.u32 s3, s0;
	s1 =	sshll.u32 s1, $0x11  }
0xbc: {  	s0 =	sor.u32 s1, s0  }
0xbd: {  	s0 =	sadd.s32 $0x8F2B, s0  }
0xbe: {  	[sflag:s0] =	ssyncadd.remote.s32 $0x1  }
0xbf: {  	_ =	sfence.sel $0xFFFF  }
0xc0: {  	[dreg:$0x0] =	wrdreg $0xFFFFFFFF;
	(pc) =	sbr.abs _section_cstart, $3  }
0xc1: {  	[dreg:$0x1] =	wrdreg $0xFFFFFFFF  }
0xc2: {  	_ =	task.clear_ibuf [dreg:s7], $0x2FFFF;
	_ =	strace $0x9FFFFFFF  }
0xc3: {  	(tm) =	ssettm $0x7FFFFFFF  }
tec
execute0_lowered:
.L_overlay_start_1:
0x0: {  	(tag) =	ssettag $0x1  }
0x1: {  	s6 =	rddreg [dreg:$0x0]  }
0x2: {  	s7 =	rddreg [dreg:$0x1]  }
0x3: {  	s0 =	srdreg.scid;
	s2 =	rddreg [dreg:$0x2]  }
0x4: {  	s3 =	simm.s32 $0x0;
	s14 =	simm.s32 $0x80;
	s15 =	simm.s32 $0x5000  }
0x5: {  	s16 =	simm.s32 $0x1;
	s5 =	sand.u32 $0x1, s0;
	s0 =	stileid.u32  }
0x6: {  	s17 =	simm.s32 $0x0;
	[smem:$0x7FF] =	sst s3;
	s9 =	smul.u32 $0x140000, s5  }
0x7: {  	s4 =	sadd.s32 $0x11E00, s6;
	s1 =	sshll.u32 s5, $0x4;
	s10 =	smul.u32 $0x14000, s0  }
0x8: {  	s29 =	ssub.s32 $0x2, s5;
	s13 =	smul.u32 $0x50000, s0;
	s5 =	sadd.s32 $0xF600, s6  }
0x9: {  	s31 =	sshll.u32 s0, $0x6;
	s1 =	sor.u32 s0, s1;
	s12 =	sshrl.u32 s29, $0x1  }
0xa: {  	s8 =	smul.u32 $0x500, s1;
	s1 =	rddreg [dreg:$0x3];
	_ =	strace $0x8000004A  }
0xb: {  	s9 =	sadd.s32 s10, s9;
	s10 =	ssub.s32 s29, s12;
	s30 =	sshrl.u32 s13, $0x2  }
0xc: {  	s12 =	sor.u32 $0x1C02, s31;
	s9 =	sshrl.u32 s9, $0x3;
	s13 =	sadd.s32 s30, s2  }
0xd: {  	s11 =	sadd.s32 s8, s6;
	s9 =	sadd.s32 s9, s6;
	s7 =	sadd.s32 s7, s8  }
0xe: {  	s13 =	sshrl.u32 s13, $0x3;
	s6 =	sadd.s32 $0x5600, s11;
	s8 =	sadd.s32 $0x61E00, s9  }
0xf: {  	s9 =	smax.u32 s10, $0x1;
	s10 =	simm.s32 $0x2;
	s11 =	simm.s32 $0x2800  }
.LBB2_1:
0x10: {  	[tilespmem:s3], [sflag:$0x2] =	stream.linear.gather [hbm4b:s6+s3], $0x2780, $0x38;
	[tilespmem:$0x1D000] =	vst v63  }
0x11: {  	_ =	swait.ge [sflag:s10], $0x2780  }
0x12: {  	[sflag:s10] =	ssyncset.done $0x0  }
0x13: {  	[sflag:s10] =	ssyncadd.s32 $0xFFFFD880  }
0x14: {  	[tilespmem:s11], [sflag:$0x2] =	stream.linear.gather [hbm4b:s7+s3], $0x2780, $0x38;
	[tilespmem:$0x1D000] =	vst v63  }
0x15: {  	_ =	swait.ge [sflag:s10], $0x2780  }
0x16: {  	[sflag:s10] =	ssyncset.done $0x0  }
0x17: {  	[sflag:s10] =	ssyncadd.s32 $0xFFFFD880  }
0x18: {  	[spmem:s13], [sflag:s12] =	dma.local [hbm:s5], $0x2800  }
0x19: {  	_ =	swait.ge [sflag:s10], $0x2800  }
0x1a: {  	[sflag:s10] =	ssyncset.done $0x0  }
0x1b: {  	[sflag:s10] =	ssyncadd.s32 $0xFFFFD800  }
0x1c: {  	s18 =	simm.s32 $0x0;
	[bflag:$0x0] =	sbarrier.arrive $0xFFFF  }
0x1d: {  	[tilespmem:s15], [sflag:$0x1] =	stream.indirect.gather [hbm4b:s4+s14], $0x80, s18, s14, $0xb8;
	[tilespmem:$0x1D000] =	vst v63  }
0x1e: {  	_ =	swait.ge [sflag:s16], $0x4000  }
0x1f: {  	[sflag:s16] =	ssyncset.done $0x0  }
0x20: {  	s31 =	simm.s32 $0x2800;
	[sflag:s16] =	ssyncadd.s32 $0xFFFFC000  }
0x21: {  	[spmem:s2] =	stream.indirect.scatter.add.f32 [tilespmem:s15], [sflag:$0x2], $0x80, s31, s14, $0xb8;
	[tilespmem:$0x1D000] =	vst v63  }
0x22: {  	_ =	swait.ge [sflag:s10], $0x4000  }
0x23: {  	s19 =	simm.s32 $0x400;
	s18 =	simm.s32 $0x200;
	[sflag:s10] =	ssyncset.done $0x0  }
.LBB2_2:
0x24: {  	s20 =	sshra.s32 s18, $0x2  }
0x25: {  	[sflag:s10] =	ssyncadd.s32 $0xFFFFC000;
	s18 =	smov.u32 s19;
	s21 =	sadd.s32 $0x200, s19  }
0x26: {  	[tilespmem:s15], [sflag:$0x1] =	stream.indirect.gather [hbm4b:s4+s14], $0x80, s20, s14, $0xb8;
	[tilespmem:$0x1D000] =	vst v63  }
0x27: {  	p0 =	sne.s32 s19, $0x9C00;
	_ =	swait.ge [sflag:s16], $0x4000  }
.Ltmp0:
0x28: {  	[sflag:s16] =	ssyncset.done $0x0;
	(pc) =	sbr.rel @p0 .LBB2_2-.Ltmp0, $4  }
0x29: {  	s19 =	sadd.s32 $0x2800, s20;
	[sflag:s16] =	ssyncadd.s32 $0xFFFFC000  }
0x2a: {  	[spmem:s2] =	stream.indirect.scatter.add.f32 [tilespmem:s15], [sflag:$0x2], $0x80, s19, s14, $0xb8;
	[tilespmem:$0x1D000] =	vst v63  }
0x2b: {  	_ =	swait.ge [sflag:s10], $0x4000  }
0x2c: {  	s19 =	smov.u32 s21;
	[sflag:s10] =	ssyncset.done $0x0  }
0x2d: {  	s18 =	sshra.s32 s18, $0x2;
	[sflag:s10] =	ssyncadd.s32 $0xFFFFC000  }
0x2e: {  	[tilespmem:s15], [sflag:$0x1] =	stream.indirect.gather [hbm4b:s4+s14], $0x80, s18, s14, $0xb8;
	[tilespmem:$0x1D000] =	vst v63  }
0x2f: {  	_ =	swait.ge [sflag:s16], $0x4000  }
0x30: {  	[sflag:s16] =	ssyncset.done $0x0  }
0x31: {  	s18 =	sadd.s32 $0x2800, s18;
	[sflag:s16] =	ssyncadd.s32 $0xFFFFC000  }
0x32: {  	[spmem:s2] =	stream.indirect.scatter.add.f32 [tilespmem:s15], [sflag:$0x2], $0x80, s18, s14, $0xb8;
	[tilespmem:$0x1D000] =	vst v63  }
0x33: {  	_ =	swait.ge [sflag:s10], $0x4000  }
0x34: {  	[sflag:s10] =	ssyncset.done $0x0  }
0x35: {  	s17 =	sadd.s32 $0x1, s17;
	[sflag:s10] =	ssyncadd.s32 $0xFFFFC000  }
0x36: {  	p0 =	sne.s32 s17, s9;
	[bflag:$0x0] =	sbarrier.arrive $0xFFFF  }
0x37: {  	[hbm:s8], [sflag:s12] =	dma.local [spmem:s13], $0x2800  }
.Ltmp1:
0x38: {  	_ =	swait.ge [sflag:s10], $0x2800;
	(pc) =	sbr.rel @p0 .LBB2_1-.Ltmp1, $3  }
0x39: {  	[sflag:s10] =	ssyncset.done $0x0  }
0x3a: {  	[sflag:s10] =	ssyncadd.s32 $0xFFFFD800  }
0x3b: {  	[bflag:$0x0] =	sbarrier.arrive $0xFFFF;
	_ =	sdelay $0x1  }
0x3c: {  	_ =	sfence.sel $0x180000  }
0x3d: {  	[bflag:$0x0] =	sbarrier.arrive $0xFFFF  }
0x3e: {  	p0 =	sne.s32 s0, $0x0;
	_ =	strace $0x9000004A  }
0x3f: {  	s0 =	sadd.s32 @!p0 $0x100000, s1;
	[bflag:$0x2] =	sbarrier.arrive $0xFFFF  }
0x40: {  	[sflag:s0] =	ssyncadd.tile.s32 @!p0 $0x1;
	_ =	shalt  }
.Lfunc_end2:
_tile_overlayer_lowered:
.L_overlay_start_2:
0x41: {  	(tag) =	ssettag $0x2  }
0x42: {  	s0 =	rddreg [dreg:$0x0];
	s2 =	stileid.u32  }
0x43: {  	s1 =	rddreg [dreg:$0x1];
	p0 =	sne.s32 s2, $0x0  }
0x44: {  	s3 =	rddreg [dreg:$0x2];
	[bflag:$0x3] =	sbarrier.arrive $0xFFFF;
	s2 =	simm.s32 @!p0 $0x1C02  }
0x45: {  	[timem:s3], [sflag:s2] =	dma.local @!p0 [hbm:s0], s1  }
0x46: {  	s0 =	simm.s32 @!p0 $0x2  }
0x47: {  	_ =	swait.ge @!p0 [sflag:s0], s1  }
0x48: {  	s1 =	ssub.s32 @!p0 $0x0, s1;
	[sflag:s0] =	ssyncset.done @!p0 $0x0  }
0x49: {  	[sflag:s0] =	ssyncadd.s32 @!p0 s1  }
0x4a: {  	[bflag:$0x3] =	sbarrier.arrive $0xFFFF  }
0x4b: {  	_ =	shalt  }

// kernel: kernel.16.cloned.1.call-start
scs
__scs_entry_jumppad:
0x0: {  	(pc) =	sbr.rel $0x88, $3  }
0x1: {  	(tag) =	ssettag $0x0;
	lr =	simm.s32 $0x1  }
0x2: {  	[smem:$0x3F97] =	sst lr;
	_ =	strace $0xD0000000  }
0x3: {  	_ = 	snop  }
0x4: {  	_ = 	snop  }
0x5: {  	_ = 	snop  }
0x6: {  	_ = 	snop  }
0x7: {  	_ = 	snop  }
__scs_overlays_trampoline_lowered:
0x8: {  	[smem:$0x3FA6] =	sst s0  }
0x9: {  	[smem:$0x3FA7] =	sst s1  }
0xa: {  	[smem:$0x3FA8] =	sst s2  }
0xb: {  	[smem:$0x3FA9] =	sst s3  }
0xc: {  	[smem:$0x3FAA] =	sst s4  }
0xd: {  	[smem:$0x3FAB] =	sst s5  }
0xe: {  	[smem:$0x3FAC] =	sst s6  }
0xf: {  	[smem:$0x3FAD] =	sst s7  }
0x10: {  	[smem:$0x3FAE] =	sst s8  }
0x11: {  	[smem:$0x3FAF] =	sst s9;
	s0 =	simm.s32 @!p0 $0x0  }
0x12: {  	s1 =	sld [smem:$0x3F95];
	s0 =	simm.s32 @p0 $0x1  }
0x13: {  	[smem:$0x3FB0] =	sst s0;
	s0 =	simm.s32 @!p1 $0x0  }
0x14: {  	s2 =	sld [smem:$0x3F94];
	s0 =	simm.s32 @p1 $0x1  }
0x15: {  	[smem:$0x3FB1] =	sst s0;
	s0 =	simm.s32 @!p2 $0x0  }
0x16: {  	s3 =	sld [smem:$0x3FDB];
	s0 =	simm.s32 @p2 $0x1  }
0x17: {  	s4 =	simm.s32 $0x1BF5;
	[smem:$0x3FB3] =	sst s0  }
0x18: {  	s0 =	sld [smem:$0x3F96];
	_ =	swait.ge [sflag:s4], $0x0  }
0x19: {  	s7 =	sld [smem:$0x3F97]  }
0x1a: {  	s8 =	sadd.s32 $0xFFFFE003, lr  }
0x1b: {  	s9 =	sadd.s32 $0xFFFFFEF7, lr;
	s5 =	simm.s32 $0xFFFFFFFF;
	p2 =	slt.u32 s8, $0xFFFFF086  }
0x1c: {  	p1 =	slt.u32 s9, $0xF7A;
	s5 =	simm.s32 @!p2 $0x0  }
0x1d: {  	s5 =	simm.s32 @p1 $0x1;
	p0 =	seq.s32 s7, s2  }
0x1e: {  	s7 =	smul.u32 @!p0 $0xF7A, s2;
	p2 =	seq.s32 @!p0 s5, $0x0  }
0x1f: {  	s9 =	smul.u32 $0xF7A, s1;
	s8 =	simm.s32 @!p0 $0x1BF5;
	p2 =	por !p2, p0  }
0x20: {  	[sflag:s8] =	ssyncset.s32 @!p0 $0xFFFFF086;
	s6 =	sadd.s32 @!p0 s3, s7;
	s7 =	simm.s32 @!p0 $0x108  }
0x21: {  	s3 =	sadd.s32 s3, s9;
	s6 =	sadd.s32 @!p0 $0x88, s6;
	s7 =	simm.s32 @p2 $0x1082  }
0x22: {  	[simem:s7], [sflag:s8] =	dma.local @!p0 [hbm:s6], $0xF7A  }
0x23: {  	s9 =	sor.u32 $0xD0000000, s2;
	s6 =	simm.s32 $0x108;
	_ =	swait.ge @!p0 [sflag:s8], $0x0  }
0x24: {  	s3 =	sadd.s32 $0x88, s3;
	s6 =	simm.s32 @!p1 $0x1082;
	[sflag:s4] =	ssyncset.s32 $0xFFFFF086  }
0x25: {  	[simem:s6], [sflag:s4] =	dma.local [hbm:s3], $0xF7A  }
0x26: {  	[smem:$0x3F97] =	sst s1;
	(tag) =	ssettag s2;
	_ =	strace s9  }
0x27: {  	s1 =	sld [smem:$0x3FA7]  }
0x28: {  	s2 =	sld [smem:$0x3FA8]  }
0x29: {  	s4 =	sld [smem:$0x3FAA]  }
0x2a: {  	p0 =	seq.s32 s5, $0x0;
	s5 =	sld [smem:$0x3FAB]  }
0x2b: {  	s6 =	sld [smem:$0x3FAC]  }
0x2c: {  	s7 =	sld [smem:$0x3FAD]  }
0x2d: {  	s3 =	simm.s32 $0x108;
	s8 =	sld [smem:$0x3FAE]  }
0x2e: {  	s3 =	simm.s32 @!p0 $0x1082;
	s9 =	sld [smem:$0x3FAF]  }
0x2f: {  	lr =	sadd.s32 s0, s3;
	s0 =	sld [smem:$0x3FA6]  }
0x30: {  	s3 =	sld [smem:$0x3FA9]  }
0x31: {  	[smem:$0x3FB2] =	sst s10  }
0x32: {  	s10 =	sld [smem:$0x3FB0];
	_ =	sdelay $0x3  }
0x33: {  	p0 =	seq.s32 s10, $0x1;
	s10 =	sld [smem:$0x3FB2];
	_ =	sdelay $0x3  }
0x34: {  	[smem:$0x3FB2] =	sst s10  }
0x35: {  	s10 =	sld [smem:$0x3FB1];
	_ =	sdelay $0x3  }
0x36: {  	p1 =	seq.s32 s10, $0x1;
	s10 =	sld [smem:$0x3FB2];
	_ =	sdelay $0x3  }
0x37: {  	[smem:$0x3FB2] =	sst s10  }
0x38: {  	s10 =	sld [smem:$0x3FB3]  }
0x39: {  	_ = 	snop;
	(pc) =	sbr.ind lr, $3  }
0x3a: {  	_ = 	snop  }
0x3b: {  	_ = 	snop  }
0x3c: {  	p2 =	seq.s32 s10, $0x1;
	s10 =	sld [smem:$0x3FB2]  }
0x3d: {  	_ =	shalt  }
0x3e: {  	_ =	shalt  }
0x3f: {  	_ =	shalt  }
0x40: {  	_ =	shalt  }
0x41: {  	_ =	shalt  }
0x42: {  	_ =	shalt  }
0x43: {  	_ =	shalt  }
0x44: {  	_ =	shalt  }
0x45: {  	_ =	shalt  }
0x46: {  	_ =	shalt  }
0x47: {  	_ =	shalt  }
0x48: {  	_ =	shalt  }
0x49: {  	_ =	shalt  }
0x4a: {  	_ =	shalt  }
0x4b: {  	_ =	shalt  }
0x4c: {  	_ =	shalt  }
0x4d: {  	_ =	shalt  }
0x4e: {  	_ =	shalt  }
0x4f: {  	_ =	shalt  }
0x50: {  	_ =	shalt  }
0x51: {  	_ =	shalt  }
0x52: {  	_ =	shalt  }
0x53: {  	_ =	shalt  }
0x54: {  	_ =	shalt  }
0x55: {  	_ =	shalt  }
0x56: {  	_ =	shalt  }
0x57: {  	_ =	shalt  }
0x58: {  	_ =	shalt  }
0x59: {  	_ =	shalt  }
0x5a: {  	_ =	shalt  }
0x5b: {  	_ =	shalt  }
0x5c: {  	_ =	shalt  }
0x5d: {  	_ =	shalt  }
0x5e: {  	_ =	shalt  }
0x5f: {  	_ =	shalt  }
0x60: {  	_ =	shalt  }
0x61: {  	_ =	shalt  }
0x62: {  	_ =	shalt  }
0x63: {  	_ =	shalt  }
0x64: {  	_ =	shalt  }
0x65: {  	_ =	shalt  }
0x66: {  	_ =	shalt  }
0x67: {  	_ =	shalt  }
0x68: {  	_ =	shalt  }
0x69: {  	_ =	shalt  }
0x6a: {  	_ =	shalt  }
0x6b: {  	_ =	shalt  }
0x6c: {  	_ =	shalt  }
0x6d: {  	_ =	shalt  }
0x6e: {  	_ =	shalt  }
0x6f: {  	_ =	shalt  }
0x70: {  	_ =	shalt  }
0x71: {  	_ =	shalt  }
0x72: {  	_ =	shalt  }
0x73: {  	_ =	shalt  }
0x74: {  	_ =	shalt  }
0x75: {  	_ =	shalt  }
0x76: {  	_ =	shalt  }
0x77: {  	_ =	shalt  }
0x78: {  	_ =	shalt  }
0x79: {  	_ =	shalt  }
0x7a: {  	_ =	shalt  }
0x7b: {  	_ =	shalt  }
0x7c: {  	_ =	shalt  }
0x7d: {  	_ =	shalt  }
0x7e: {  	_ =	shalt  }
0x7f: {  	_ =	shalt  }
0x80: {  	_ =	shalt  }
0x81: {  	_ =	shalt  }
0x82: {  	_ =	shalt  }
0x83: {  	_ =	shalt  }
0x84: {  	_ =	shalt  }
0x85: {  	_ =	shalt  }
0x86: {  	_ =	shalt  }
0x87: {  	_ =	shalt  }
.Lfunc_end0:
.L_simem_size_0:
called_computation.2_lowered:
.L_overlay_start_0:
0x88: {  	s2 =	sld [smem:$0x3FD9]  }
0x89: {  	s3 =	sld [smem:$0x3FFE];
	_ =	sdelay $0x1  }
0x8a: {  	s1 =	srdreg.scid  }
0x8b: {  	s0 =	sand.u32 $0x1, s1  }
0x8c: {  	s17 =	sshll.u32 s0, $0xA;
	s2 =	sadd.s32 s3, s2  }
0x8d: {  	s2 =	sadd.s32 s2, s17  }
0x8e: {  	[smem:$0x3FBE] =	sst s2  }
0x8f: {  	_ = 	snop  }
0x90: {  	s2 =	sld [smem:$0x3FD0];
	(tm) =	ssettm $0x1  }
0x91: {  	s18 =	sld [smem:$0x3FFB];
	_ =	sdelay $0x3  }
0x92: {  	_ =	strace s18  }
0x93: {  	s3 =	sld [smem:$0x3FFC];
	_ =	sdelay $0x3  }
0x94: {  	_ =	strace s3  }
0x95: {  	s3 =	sld [smem:$0x3FFD];
	_ =	sdelay $0x3  }
0x96: {  	_ =	strace s3  }
0x97: {  	_ =	strace $0x8FFFFFFF  }
0x98: {  	s19 =	sld [smem:$0x3FDB];
	_ =	sdelay $0x1  }
0x99: {  	s4 =	simm.s32 $_scs_section_size  }
0x9a: {  	s5 =	simm.s32 $_size__tile_overlayer_lowered;
	s6 =	simm.s32 $_tile_overlayer_lowered  }
0x9b: {  	s22 =	simm.s32 $0x1BFF;
	s21 =	sshll.u32 s6, $0x1;
	s3 =	sadd.s32 s4, s19  }
0x9c: {  	s7 =	simm.s32 $0x0;
	s20 =	sshll.u32 s5, $0x1;
	s5 =	sadd.s32 s21, s3  }
0x9d: {  	[timem:s7], [sflag:s22] =	dma.local [hbm:s5], s20  }
0x9e: {  	_ =	swait.ge [sflag:s22], s20  }
0x9f: {  	s4 =	ssub.s32 $0x0, s20;
	[sflag:s22] =	ssyncset.done $0x0  }
0xa0: {  	[sflag:s22] =	ssyncadd.s32 s4;
	_ =	sdelay $0x1  }
0xa1: {  	s23 =	simm.s32 $0x1B8B  }
0xa2: {  	_ =	swait.ge [sflag:s23], $0x1  }
0xa3: {  	[sflag:s23] =	ssyncset.done $0x0  }
0xa4: {  	s25 =	simm.s32 $0x1B8E;
	s24 =	sld [smem:$0x3FFE];
	[sflag:s23] =	ssyncadd.s32 $0xFFFFFFFF  }
0xa5: {  	s26 =	simm.s32 $execute0_lowered;
	[smem:$0x3FD2] =	sst s25  }
0xa6: {  	s5 =	sshll.u32 s26, $0x1;
	_ =	strace $0x8000004C;
	[dreg:$0x1] =	wrdreg $0xFFFFFFFF  }
0xa7: {  	s28 =	simm.s32 $_size_execute0_lowered;
	s3 =	sadd.s32 s3, s5;
	[dreg:$0x0] =	wrdreg $0x0  }
0xa8: {  	s5 =	sshll.u32 s28, $0x1;
	[dreg:$0x2] =	wrdreg s3  }
0xa9: {  	[dreg:$0x3] =	wrdreg s5  }
0xaa: {  	[dreg:$0x4] =	wrdreg $0xC0  }
0xab: {  	_ =	task [dreg:s7], $0x5FFFF  }
0xac: {  	[dreg:$0x1] =	wrdreg $0xFFFFFFFF  }
0xad: {  	[dreg:$0x0] =	wrdreg $0x60  }
0xae: {  	[dreg:$0x2] =	wrdreg s24  }
0xaf: {  	[dreg:$0x3] =	wrdreg s2  }
0xb0: {  	[dreg:$0x4] =	wrdreg $0x90000  }
0xb1: {  	[dreg:$0x5] =	wrdreg $0x9  }
0xb2: {  	_ =	task.clear_ibuf [dreg:s7], $0x6FFFF;
	_ =	strace $0x9000004C  }
0xb3: {  	s29 =	simm.s32 $0x9;
	_ =	strace $0x8000004E  }
0xb4: {  	_ =	swait.ge [sflag:s29], $0x1  }
0xb5: {  	[sflag:s29] =	ssyncadd.s32 $0xFFFFFFFF  }
0xb6: {  	_ =	strace $0x9000004E  }
0xb7: {  	_ =	sfence  }
0xb8: {  	s30 =	sld [smem:$0x0];
	_ =	sdelay $0x2  }
0xb9: {  	s31 =	sshll.u32 s1, $0xD;
	s1 =	sshrl.u32 s1, $0x2  }
0xba: {  	s3 =	sand.u32 $0x4000, s31;
	s1 =	sadd.s32 s1, s30  }
0xbb: {  	s0 =	sor.u32 s3, s0;
	s1 =	sshll.u32 s1, $0x11  }
0xbc: {  	s0 =	sor.u32 s1, s0  }
0xbd: {  	s0 =	sadd.s32 $0x8F2B, s0  }
0xbe: {  	[sflag:s0] =	ssyncadd.remote.s32 $0x1  }
0xbf: {  	_ =	sfence.sel $0xFFFF  }
0xc0: {  	[dreg:$0x0] =	wrdreg $0xFFFFFFFF;
	(pc) =	sbr.abs _section_cstart, $3  }
0xc1: {  	[dreg:$0x1] =	wrdreg $0xFFFFFFFF  }
0xc2: {  	_ =	task.clear_ibuf [dreg:s7], $0x2FFFF;
	_ =	strace $0x9FFFFFFF  }
0xc3: {  	(tm) =	ssettm $0x7FFFFFFF  }
tec
execute0_lowered:
.L_overlay_start_1:
0x0: {  	(tag) =	ssettag $0x1  }
0x1: {  	s9 =	rddreg [dreg:$0x0]  }
0x2: {  	s10 =	rddreg [dreg:$0x1]  }
0x3: {  	s0 =	srdreg.scid;
	s2 =	rddreg [dreg:$0x2]  }
0x4: {  	s3 =	simm.s32 $0x0;
	s20 =	simm.s32 $0x80;
	s21 =	simm.s32 $0x5000  }
0x5: {  	s22 =	simm.s32 $0x1;
	s23 =	simm.s32 $0x0;
	s8 =	sand.u32 $0x1, s0  }
0x6: {  	s0 =	stileid.u32;
	[smem:$0x7FF] =	sst s3;
	s5 =	sadd.s32 $0x61E00, s9  }
0x7: {  	s6 =	sadd.s32 $0x89E00, s9;
	s7 =	sadd.s32 $0xB1E00, s9;
	s12 =	smul.u32 $0x140000, s8  }
0x8: {  	s1 =	sshll.u32 s8, $0x4;
	s13 =	smul.u32 $0x14000, s0;
	s30 =	ssub.s32 $0x2, s8  }
0x9: {  	s16 =	smul.u32 $0x50000, s0;
	s8 =	sadd.s32 $0xF600, s9;
	s18 =	sshll.u32 s0, $0x6  }
0xa: {  	s4 =	sor.u32 s0, s1;
	s1 =	rddreg [dreg:$0x3];
	_ =	strace $0x8000004D  }
0xb: {  	s15 =	sshrl.u32 s30, $0x1;
	s18 =	sor.u32 $0x1C02, s18;
	s11 =	smul.u32 $0x500, s4  }
0xc: {  	s4 =	sadd.s32 $0x11E00, s9;
	s12 =	sadd.s32 s13, s12;
	s15 =	ssub.s32 s30, s15  }
0xd: {  	s31 =	sshrl.u32 s16, $0x2;
	s16 =	simm.s32 $0x2;
	s12 =	sshrl.u32 s12, $0x3  }
0xe: {  	s19 =	sadd.s32 s31, s2;
	s15 =	smax.u32 s15, $0x1;
	s14 =	sadd.s32 s11, s9  }
0xf: {  	s17 =	sadd.s32 s12, s9;
	s10 =	sadd.s32 s10, s11;
	s9 =	sadd.s32 $0x5600, s14  }
0x10: {  	s19 =	sshrl.u32 s19, $0x3;
	s12 =	sadd.s32 $0x129E00, s17;
	s13 =	sadd.s32 $0x179E00, s17  }
0x11: {  	s11 =	sadd.s32 $0xD9E00, s17;
	s14 =	sadd.s32 $0x1C9E00, s17;
	s17 =	simm.s32 $0x2800  }
.LBB2_1:
0x12: {  	[tilespmem:s3], [sflag:$0x2] =	stream.linear.gather [hbm4b:s9+s3], $0x2780, $0x38;
	[tilespmem:$0x1D000] =	vst v63  }
0x13: {  	_ =	swait.ge [sflag:s16], $0x2780  }
0x14: {  	[sflag:s16] =	ssyncset.done $0x0  }
0x15: {  	[sflag:s16] =	ssyncadd.s32 $0xFFFFD880  }
0x16: {  	[tilespmem:s17], [sflag:$0x2] =	stream.linear.gather [hbm4b:s10+s3], $0x2780, $0x38;
	[tilespmem:$0x1D000] =	vst v63  }
0x17: {  	_ =	swait.ge [sflag:s16], $0x2780  }
0x18: {  	[sflag:s16] =	ssyncset.done $0x0  }
0x19: {  	[sflag:s16] =	ssyncadd.s32 $0xFFFFD880  }
0x1a: {  	[spmem:s19], [sflag:s18] =	dma.local [hbm:s8], $0x2800  }
0x1b: {  	_ =	swait.ge [sflag:s16], $0x2800  }
0x1c: {  	[sflag:s16] =	ssyncset.done $0x0  }
0x1d: {  	[sflag:s16] =	ssyncadd.s32 $0xFFFFD800  }
0x1e: {  	s24 =	simm.s32 $0x0;
	[bflag:$0x0] =	sbarrier.arrive $0xFFFF  }
0x1f: {  	[tilespmem:s21], [sflag:$0x1] =	stream.indirect.gather [hbm4b:s4+s20], $0x80, s24, s20, $0xb8;
	[tilespmem:$0x1D000] =	vst v63  }
0x20: {  	_ =	swait.ge [sflag:s22], $0x4000  }
0x21: {  	[sflag:s22] =	ssyncset.done $0x0  }
0x22: {  	s31 =	simm.s32 $0x2800;
	[sflag:s22] =	ssyncadd.s32 $0xFFFFC000  }
0x23: {  	[spmem:s2] =	stream.indirect.scatter.add.f32 [tilespmem:s21], [sflag:$0x2], $0x80, s31, s20, $0xb8;
	[tilespmem:$0x1D000] =	vst v63  }
0x24: {  	_ =	swait.ge [sflag:s16], $0x4000  }
0x25: {  	s25 =	simm.s32 $0x400;
	s24 =	simm.s32 $0x200;
	[sflag:s16] =	ssyncset.done $0x0  }
.LBB2_2:
0x26: {  	s26 =	sshra.s32 s24, $0x2  }
0x27: {  	[sflag:s16] =	ssyncadd.s32 $0xFFFFC000;
	s24 =	smov.u32 s25;
	s28 =	sadd.s32 $0x200, s25  }
0x28: {  	[tilespmem:s21], [sflag:$0x1] =	stream.indirect.gather [hbm4b:s4+s20], $0x80, s26, s20, $0xb8;
	[tilespmem:$0x1D000] =	vst v63  }
0x29: {  	p0 =	sne.s32 s25, $0x9C00;
	_ =	swait.ge [sflag:s22], $0x4000  }
.Ltmp0:
0x2a: {  	[sflag:s22] =	ssyncset.done $0x0;
	(pc) =	sbr.rel @p0 .LBB2_2-.Ltmp0, $4  }
0x2b: {  	s25 =	sadd.s32 $0x2800, s26;
	[sflag:s22] =	ssyncadd.s32 $0xFFFFC000  }
0x2c: {  	[spmem:s2] =	stream.indirect.scatter.add.f32 [tilespmem:s21], [sflag:$0x2], $0x80, s25, s20, $0xb8;
	[tilespmem:$0x1D000] =	vst v63  }
0x2d: {  	_ =	swait.ge [sflag:s16], $0x4000  }
0x2e: {  	s25 =	smov.u32 s28;
	[sflag:s16] =	ssyncset.done $0x0  }
0x2f: {  	s24 =	sshra.s32 s24, $0x2;
	[sflag:s16] =	ssyncadd.s32 $0xFFFFC000  }
0x30: {  	[tilespmem:s21], [sflag:$0x1] =	stream.indirect.gather [hbm4b:s4+s20], $0x80, s24, s20, $0xb8;
	[tilespmem:$0x1D000] =	vst v63  }
0x31: {  	_ =	swait.ge [sflag:s22], $0x4000  }
0x32: {  	[sflag:s22] =	ssyncset.done $0x0  }
0x33: {  	s24 =	sadd.s32 $0x2800, s24;
	[sflag:s22] =	ssyncadd.s32 $0xFFFFC000  }
0x34: {  	[spmem:s2] =	stream.indirect.scatter.add.f32 [tilespmem:s21], [sflag:$0x2], $0x80, s24, s20, $0xb8;
	[tilespmem:$0x1D000] =	vst v63  }
0x35: {  	_ =	swait.ge [sflag:s16], $0x4000  }
0x36: {  	[sflag:s16] =	ssyncset.done $0x0  }
0x37: {  	[sflag:s16] =	ssyncadd.s32 $0xFFFFC000  }
0x38: {  	[bflag:$0x0] =	sbarrier.arrive $0xFFFF  }
0x39: {  	[hbm:s11], [sflag:s18] =	dma.local [spmem:s19], $0x2800  }
0x3a: {  	_ =	swait.ge [sflag:s16], $0x2800  }
0x3b: {  	[sflag:s16] =	ssyncset.done $0x0  }
0x3c: {  	[sflag:s16] =	ssyncadd.s32 $0xFFFFD800  }
0x3d: {  	[bflag:$0x0] =	sbarrier.arrive $0xFFFF  }
0x3e: {  	[spmem:s19], [sflag:s18] =	dma.local [hbm:s8], $0x2800  }
0x3f: {  	_ =	swait.ge [sflag:s16], $0x2800  }
0x40: {  	[sflag:s16] =	ssyncset.done $0x0  }
0x41: {  	[sflag:s16] =	ssyncadd.s32 $0xFFFFD800  }
0x42: {  	s30 =	simm.s32 $0x0;
	[bflag:$0x0] =	sbarrier.arrive $0xFFFF  }
0x43: {  	[tilespmem:s21], [sflag:$0x1] =	stream.indirect.gather [hbm4b:s5+s20], $0x80, s30, s20, $0xb8;
	[tilespmem:$0x1D000] =	vst v63  }
0x44: {  	_ =	swait.ge [sflag:s22], $0x4000  }
0x45: {  	[sflag:s22] =	ssyncset.done $0x0  }
0x46: {  	s31 =	simm.s32 $0x2800;
	[sflag:s22] =	ssyncadd.s32 $0xFFFFC000  }
0x47: {  	[spmem:s2] =	stream.indirect.scatter.add.f32 [tilespmem:s21], [sflag:$0x2], $0x80, s31, s20, $0xb8;
	[tilespmem:$0x1D000] =	vst v63  }
0x48: {  	_ =	swait.ge [sflag:s16], $0x4000  }
0x49: {  	s25 =	simm.s32 $0x400;
	s24 =	simm.s32 $0x200;
	[sflag:s16] =	ssyncset.done $0x0  }
.LBB2_4:
0x4a: {  	s26 =	sshra.s32 s24, $0x2  }
0x4b: {  	[sflag:s16] =	ssyncadd.s32 $0xFFFFC000;
	s24 =	smov.u32 s25;
	s28 =	sadd.s32 $0x200, s25  }
0x4c: {  	[tilespmem:s21], [sflag:$0x1] =	stream.indirect.gather [hbm4b:s5+s20], $0x80, s26, s20, $0xb8;
	[tilespmem:$0x1D000] =	vst v63  }
0x4d: {  	p0 =	sne.s32 s25, $0x9C00;
	_ =	swait.ge [sflag:s22], $0x4000  }
.Ltmp1:
0x4e: {  	[sflag:s22] =	ssyncset.done $0x0;
	(pc) =	sbr.rel @p0 .LBB2_4-.Ltmp1, $4  }
0x4f: {  	s25 =	sadd.s32 $0x2800, s26;
	[sflag:s22] =	ssyncadd.s32 $0xFFFFC000  }
0x50: {  	[spmem:s2] =	stream.indirect.scatter.add.f32 [tilespmem:s21], [sflag:$0x2], $0x80, s25, s20, $0xb8;
	[tilespmem:$0x1D000] =	vst v63  }
0x51: {  	_ =	swait.ge [sflag:s16], $0x4000  }
0x52: {  	s25 =	smov.u32 s28;
	[sflag:s16] =	ssyncset.done $0x0  }
0x53: {  	s24 =	sshra.s32 s24, $0x2;
	[sflag:s16] =	ssyncadd.s32 $0xFFFFC000  }
0x54: {  	[tilespmem:s21], [sflag:$0x1] =	stream.indirect.gather [hbm4b:s5+s20], $0x80, s24, s20, $0xb8;
	[tilespmem:$0x1D000] =	vst v63  }
0x55: {  	_ =	swait.ge [sflag:s22], $0x4000  }
0x56: {  	[sflag:s22] =	ssyncset.done $0x0  }
0x57: {  	s24 =	sadd.s32 $0x2800, s24;
	[sflag:s22] =	ssyncadd.s32 $0xFFFFC000  }
0x58: {  	[spmem:s2] =	stream.indirect.scatter.add.f32 [tilespmem:s21], [sflag:$0x2], $0x80, s24, s20, $0xb8;
	[tilespmem:$0x1D000] =	vst v63  }
0x59: {  	_ =	swait.ge [sflag:s16], $0x4000  }
0x5a: {  	[sflag:s16] =	ssyncset.done $0x0  }
0x5b: {  	[sflag:s16] =	ssyncadd.s32 $0xFFFFC000  }
0x5c: {  	[bflag:$0x0] =	sbarrier.arrive $0xFFFF  }
0x5d: {  	[hbm:s12], [sflag:s18] =	dma.local [spmem:s19], $0x2800  }
0x5e: {  	_ =	swait.ge [sflag:s16], $0x2800  }
0x5f: {  	[sflag:s16] =	ssyncset.done $0x0  }
0x60: {  	[sflag:s16] =	ssyncadd.s32 $0xFFFFD800  }
0x61: {  	[bflag:$0x0] =	sbarrier.arrive $0xFFFF  }
0x62: {  	[spmem:s19], [sflag:s18] =	dma.local [hbm:s8], $0x2800  }
0x63: {  	_ =	swait.ge [sflag:s16], $0x2800  }
0x64: {  	[sflag:s16] =	ssyncset.done $0x0  }
0x65: {  	[sflag:s16] =	ssyncadd.s32 $0xFFFFD800  }
0x66: {  	s30 =	simm.s32 $0x0;
	[bflag:$0x0] =	sbarrier.arrive $0xFFFF  }
0x67: {  	[tilespmem:s21], [sflag:$0x1] =	stream.indirect.gather [hbm4b:s6+s20], $0x80, s30, s20, $0xb8;
	[tilespmem:$0x1D000] =	vst v63  }
0x68: {  	_ =	swait.ge [sflag:s22], $0x4000  }
0x69: {  	[sflag:s22] =	ssyncset.done $0x0  }
0x6a: {  	s31 =	simm.s32 $0x2800;
	[sflag:s22] =	ssyncadd.s32 $0xFFFFC000  }
0x6b: {  	[spmem:s2] =	stream.indirect.scatter.add.f32 [tilespmem:s21], [sflag:$0x2], $0x80, s31, s20, $0xb8;
	[tilespmem:$0x1D000] =	vst v63  }
0x6c: {  	_ =	swait.ge [sflag:s16], $0x4000  }
0x6d: {  	s25 =	simm.s32 $0x400;
	s24 =	simm.s32 $0x200;
	[sflag:s16] =	ssyncset.done $0x0  }
.LBB2_6:
0x6e: {  	s26 =	sshra.s32 s24, $0x2  }
0x6f: {  	[sflag:s16] =	ssyncadd.s32 $0xFFFFC000;
	s24 =	smov.u32 s25;
	s28 =	sadd.s32 $0x200, s25  }
0x70: {  	[tilespmem:s21], [sflag:$0x1] =	stream.indirect.gather [hbm4b:s6+s20], $0x80, s26, s20, $0xb8;
	[tilespmem:$0x1D000] =	vst v63  }
0x71: {  	p0 =	sne.s32 s25, $0x9C00;
	_ =	swait.ge [sflag:s22], $0x4000  }
.Ltmp2:
0x72: {  	[sflag:s22] =	ssyncset.done $0x0;
	(pc) =	sbr.rel @p0 .LBB2_6-.Ltmp2, $4  }
0x73: {  	s25 =	sadd.s32 $0x2800, s26;
	[sflag:s22] =	ssyncadd.s32 $0xFFFFC000  }
0x74: {  	[spmem:s2] =	stream.indirect.scatter.add.f32 [tilespmem:s21], [sflag:$0x2], $0x80, s25, s20, $0xb8;
	[tilespmem:$0x1D000] =	vst v63  }
0x75: {  	_ =	swait.ge [sflag:s16], $0x4000  }
0x76: {  	s25 =	smov.u32 s28;
	[sflag:s16] =	ssyncset.done $0x0  }
0x77: {  	s24 =	sshra.s32 s24, $0x2;
	[sflag:s16] =	ssyncadd.s32 $0xFFFFC000  }
0x78: {  	[tilespmem:s21], [sflag:$0x1] =	stream.indirect.gather [hbm4b:s6+s20], $0x80, s24, s20, $0xb8;
	[tilespmem:$0x1D000] =	vst v63  }
0x79: {  	_ =	swait.ge [sflag:s22], $0x4000  }
0x7a: {  	[sflag:s22] =	ssyncset.done $0x0  }
0x7b: {  	s24 =	sadd.s32 $0x2800, s24;
	[sflag:s22] =	ssyncadd.s32 $0xFFFFC000  }
0x7c: {  	[spmem:s2] =	stream.indirect.scatter.add.f32 [tilespmem:s21], [sflag:$0x2], $0x80, s24, s20, $0xb8;
	[tilespmem:$0x1D000] =	vst v63  }
0x7d: {  	_ =	swait.ge [sflag:s16], $0x4000  }
0x7e: {  	[sflag:s16] =	ssyncset.done $0x0  }
0x7f: {  	[sflag:s16] =	ssyncadd.s32 $0xFFFFC000  }
0x80: {  	[bflag:$0x0] =	sbarrier.arrive $0xFFFF  }
0x81: {  	[hbm:s13], [sflag:s18] =	dma.local [spmem:s19], $0x2800  }
0x82: {  	_ =	swait.ge [sflag:s16], $0x2800  }
0x83: {  	[sflag:s16] =	ssyncset.done $0x0  }
0x84: {  	[sflag:s16] =	ssyncadd.s32 $0xFFFFD800  }
0x85: {  	[bflag:$0x0] =	sbarrier.arrive $0xFFFF  }
0x86: {  	[spmem:s19], [sflag:s18] =	dma.local [hbm:s8], $0x2800  }
0x87: {  	_ =	swait.ge [sflag:s16], $0x2800  }
0x88: {  	[sflag:s16] =	ssyncset.done $0x0  }
0x89: {  	[sflag:s16] =	ssyncadd.s32 $0xFFFFD800  }
0x8a: {  	s30 =	simm.s32 $0x0;
	[bflag:$0x0] =	sbarrier.arrive $0xFFFF  }
0x8b: {  	[tilespmem:s21], [sflag:$0x1] =	stream.indirect.gather [hbm4b:s7+s20], $0x80, s30, s20, $0xb8;
	[tilespmem:$0x1D000] =	vst v63  }
0x8c: {  	_ =	swait.ge [sflag:s22], $0x4000  }
0x8d: {  	[sflag:s22] =	ssyncset.done $0x0  }
0x8e: {  	s31 =	simm.s32 $0x2800;
	[sflag:s22] =	ssyncadd.s32 $0xFFFFC000  }
0x8f: {  	[spmem:s2] =	stream.indirect.scatter.add.f32 [tilespmem:s21], [sflag:$0x2], $0x80, s31, s20, $0xb8;
	[tilespmem:$0x1D000] =	vst v63  }
0x90: {  	_ =	swait.ge [sflag:s16], $0x4000  }
0x91: {  	s25 =	simm.s32 $0x400;
	s24 =	simm.s32 $0x200;
	[sflag:s16] =	ssyncset.done $0x0  }
.LBB2_8:
0x92: {  	s26 =	sshra.s32 s24, $0x2  }
0x93: {  	[sflag:s16] =	ssyncadd.s32 $0xFFFFC000;
	s24 =	smov.u32 s25;
	s28 =	sadd.s32 $0x200, s25  }
0x94: {  	[tilespmem:s21], [sflag:$0x1] =	stream.indirect.gather [hbm4b:s7+s20], $0x80, s26, s20, $0xb8;
	[tilespmem:$0x1D000] =	vst v63  }
0x95: {  	p0 =	sne.s32 s25, $0x9C00;
	_ =	swait.ge [sflag:s22], $0x4000  }
.Ltmp3:
0x96: {  	[sflag:s22] =	ssyncset.done $0x0;
	(pc) =	sbr.rel @p0 .LBB2_8-.Ltmp3, $4  }
0x97: {  	s25 =	sadd.s32 $0x2800, s26;
	[sflag:s22] =	ssyncadd.s32 $0xFFFFC000  }
0x98: {  	[spmem:s2] =	stream.indirect.scatter.add.f32 [tilespmem:s21], [sflag:$0x2], $0x80, s25, s20, $0xb8;
	[tilespmem:$0x1D000] =	vst v63  }
0x99: {  	_ =	swait.ge [sflag:s16], $0x4000  }
0x9a: {  	s25 =	smov.u32 s28;
	[sflag:s16] =	ssyncset.done $0x0  }
0x9b: {  	s24 =	sshra.s32 s24, $0x2;
	[sflag:s16] =	ssyncadd.s32 $0xFFFFC000  }
0x9c: {  	[tilespmem:s21], [sflag:$0x1] =	stream.indirect.gather [hbm4b:s7+s20], $0x80, s24, s20, $0xb8;
	[tilespmem:$0x1D000] =	vst v63  }
0x9d: {  	_ =	swait.ge [sflag:s22], $0x4000  }
0x9e: {  	[sflag:s22] =	ssyncset.done $0x0  }
0x9f: {  	s24 =	sadd.s32 $0x2800, s24;
	[sflag:s22] =	ssyncadd.s32 $0xFFFFC000  }
0xa0: {  	[spmem:s2] =	stream.indirect.scatter.add.f32 [tilespmem:s21], [sflag:$0x2], $0x80, s24, s20, $0xb8;
	[tilespmem:$0x1D000] =	vst v63  }
0xa1: {  	_ =	swait.ge [sflag:s16], $0x4000  }
0xa2: {  	[sflag:s16] =	ssyncset.done $0x0  }
0xa3: {  	s23 =	sadd.s32 $0x1, s23;
	[sflag:s16] =	ssyncadd.s32 $0xFFFFC000  }
0xa4: {  	p0 =	sne.s32 s23, s15;
	[bflag:$0x0] =	sbarrier.arrive $0xFFFF  }
0xa5: {  	[hbm:s14], [sflag:s18] =	dma.local [spmem:s19], $0x2800  }
.Ltmp4:
0xa6: {  	_ =	swait.ge [sflag:s16], $0x2800;
	(pc) =	sbr.rel @p0 .LBB2_1-.Ltmp4, $3  }
0xa7: {  	[sflag:s16] =	ssyncset.done $0x0  }
0xa8: {  	[sflag:s16] =	ssyncadd.s32 $0xFFFFD800  }
0xa9: {  	[bflag:$0x0] =	sbarrier.arrive $0xFFFF;
	_ =	sdelay $0x1  }
0xaa: {  	_ =	sfence.sel $0x180000  }
0xab: {  	[bflag:$0x0] =	sbarrier.arrive $0xFFFF  }
0xac: {  	p0 =	sne.s32 s0, $0x0;
	_ =	strace $0x9000004D  }
0xad: {  	s0 =	sadd.s32 @!p0 $0x100000, s1;
	[bflag:$0x2] =	sbarrier.arrive $0xFFFF  }
0xae: {  	[sflag:s0] =	ssyncadd.tile.s32 @!p0 $0x1;
	_ =	shalt  }
.Lfunc_end2:
_tile_overlayer_lowered:
.L_overlay_start_2:
0xaf: {  	(tag) =	ssettag $0x2  }
0xb0: {  	s0 =	rddreg [dreg:$0x0];
	s2 =	stileid.u32  }
0xb1: {  	s1 =	rddreg [dreg:$0x1];
	p0 =	sne.s32 s2, $0x0  }
0xb2: {  	s3 =	rddreg [dreg:$0x2];
	[bflag:$0x3] =	sbarrier.arrive $0xFFFF;
	s2 =	simm.s32 @!p0 $0x1C02  }
0xb3: {  	[timem:s3], [sflag:s2] =	dma.local @!p0 [hbm:s0], s1  }
0xb4: {  	s0 =	simm.s32 @!p0 $0x2  }
0xb5: {  	_ =	swait.ge @!p0 [sflag:s0], s1  }
0xb6: {  	s1 =	ssub.s32 @!p0 $0x0, s1;
	[sflag:s0] =	ssyncset.done @!p0 $0x0  }
0xb7: {  	[sflag:s0] =	ssyncadd.s32 @!p0 s1  }
0xb8: {  	[bflag:$0x3] =	sbarrier.arrive $0xFFFF  }
0xb9: {  	_ =	shalt  }

// kernel: kernel.19.cloned.1.call-start
scs
__scs_entry_jumppad:
0x0: {  	(pc) =	sbr.rel $0x88, $3  }
0x1: {  	(tag) =	ssettag $0x0;
	lr =	simm.s32 $0x1  }
0x2: {  	[smem:$0x3F97] =	sst lr;
	_ =	strace $0xD0000000  }
0x3: {  	_ = 	snop  }
0x4: {  	_ = 	snop  }
0x5: {  	_ = 	snop  }
0x6: {  	_ = 	snop  }
0x7: {  	_ = 	snop  }
__scs_overlays_trampoline_lowered:
0x8: {  	[smem:$0x3FA6] =	sst s0  }
0x9: {  	[smem:$0x3FA7] =	sst s1  }
0xa: {  	[smem:$0x3FA8] =	sst s2  }
0xb: {  	[smem:$0x3FA9] =	sst s3  }
0xc: {  	[smem:$0x3FAA] =	sst s4  }
0xd: {  	[smem:$0x3FAB] =	sst s5  }
0xe: {  	[smem:$0x3FAC] =	sst s6  }
0xf: {  	[smem:$0x3FAD] =	sst s7  }
0x10: {  	[smem:$0x3FAE] =	sst s8  }
0x11: {  	[smem:$0x3FAF] =	sst s9;
	s0 =	simm.s32 @!p0 $0x0  }
0x12: {  	s1 =	sld [smem:$0x3F95];
	s0 =	simm.s32 @p0 $0x1  }
0x13: {  	[smem:$0x3FB0] =	sst s0;
	s0 =	simm.s32 @!p1 $0x0  }
0x14: {  	s2 =	sld [smem:$0x3F94];
	s0 =	simm.s32 @p1 $0x1  }
0x15: {  	[smem:$0x3FB1] =	sst s0;
	s0 =	simm.s32 @!p2 $0x0  }
0x16: {  	s3 =	sld [smem:$0x3FDB];
	s0 =	simm.s32 @p2 $0x1  }
0x17: {  	s4 =	simm.s32 $0x1BF5;
	[smem:$0x3FB3] =	sst s0  }
0x18: {  	s0 =	sld [smem:$0x3F96];
	_ =	swait.ge [sflag:s4], $0x0  }
0x19: {  	s7 =	sld [smem:$0x3F97]  }
0x1a: {  	s8 =	sadd.s32 $0xFFFFE003, lr  }
0x1b: {  	s9 =	sadd.s32 $0xFFFFFEF7, lr;
	s5 =	simm.s32 $0xFFFFFFFF;
	p2 =	slt.u32 s8, $0xFFFFF086  }
0x1c: {  	p1 =	slt.u32 s9, $0xF7A;
	s5 =	simm.s32 @!p2 $0x0  }
0x1d: {  	s5 =	simm.s32 @p1 $0x1;
	p0 =	seq.s32 s7, s2  }
0x1e: {  	s7 =	smul.u32 @!p0 $0xF7A, s2;
	p2 =	seq.s32 @!p0 s5, $0x0  }
0x1f: {  	s9 =	smul.u32 $0xF7A, s1;
	s8 =	simm.s32 @!p0 $0x1BF5;
	p2 =	por !p2, p0  }
0x20: {  	[sflag:s8] =	ssyncset.s32 @!p0 $0xFFFFF086;
	s6 =	sadd.s32 @!p0 s3, s7;
	s7 =	simm.s32 @!p0 $0x108  }
0x21: {  	s3 =	sadd.s32 s3, s9;
	s6 =	sadd.s32 @!p0 $0x88, s6;
	s7 =	simm.s32 @p2 $0x1082  }
0x22: {  	[simem:s7], [sflag:s8] =	dma.local @!p0 [hbm:s6], $0xF7A  }
0x23: {  	s9 =	sor.u32 $0xD0000000, s2;
	s6 =	simm.s32 $0x108;
	_ =	swait.ge @!p0 [sflag:s8], $0x0  }
0x24: {  	s3 =	sadd.s32 $0x88, s3;
	s6 =	simm.s32 @!p1 $0x1082;
	[sflag:s4] =	ssyncset.s32 $0xFFFFF086  }
0x25: {  	[simem:s6], [sflag:s4] =	dma.local [hbm:s3], $0xF7A  }
0x26: {  	[smem:$0x3F97] =	sst s1;
	(tag) =	ssettag s2;
	_ =	strace s9  }
0x27: {  	s1 =	sld [smem:$0x3FA7]  }
0x28: {  	s2 =	sld [smem:$0x3FA8]  }
0x29: {  	s4 =	sld [smem:$0x3FAA]  }
0x2a: {  	p0 =	seq.s32 s5, $0x0;
	s5 =	sld [smem:$0x3FAB]  }
0x2b: {  	s6 =	sld [smem:$0x3FAC]  }
0x2c: {  	s7 =	sld [smem:$0x3FAD]  }
0x2d: {  	s3 =	simm.s32 $0x108;
	s8 =	sld [smem:$0x3FAE]  }
0x2e: {  	s3 =	simm.s32 @!p0 $0x1082;
	s9 =	sld [smem:$0x3FAF]  }
0x2f: {  	lr =	sadd.s32 s0, s3;
	s0 =	sld [smem:$0x3FA6]  }
0x30: {  	s3 =	sld [smem:$0x3FA9]  }
0x31: {  	[smem:$0x3FB2] =	sst s10  }
0x32: {  	s10 =	sld [smem:$0x3FB0];
	_ =	sdelay $0x3  }
0x33: {  	p0 =	seq.s32 s10, $0x1;
	s10 =	sld [smem:$0x3FB2];
	_ =	sdelay $0x3  }
0x34: {  	[smem:$0x3FB2] =	sst s10  }
0x35: {  	s10 =	sld [smem:$0x3FB1];
	_ =	sdelay $0x3  }
0x36: {  	p1 =	seq.s32 s10, $0x1;
	s10 =	sld [smem:$0x3FB2];
	_ =	sdelay $0x3  }
0x37: {  	[smem:$0x3FB2] =	sst s10  }
0x38: {  	s10 =	sld [smem:$0x3FB3]  }
0x39: {  	_ = 	snop;
	(pc) =	sbr.ind lr, $3  }
0x3a: {  	_ = 	snop  }
0x3b: {  	_ = 	snop  }
0x3c: {  	p2 =	seq.s32 s10, $0x1;
	s10 =	sld [smem:$0x3FB2]  }
0x3d: {  	_ =	shalt  }
0x3e: {  	_ =	shalt  }
0x3f: {  	_ =	shalt  }
0x40: {  	_ =	shalt  }
0x41: {  	_ =	shalt  }
0x42: {  	_ =	shalt  }
0x43: {  	_ =	shalt  }
0x44: {  	_ =	shalt  }
0x45: {  	_ =	shalt  }
0x46: {  	_ =	shalt  }
0x47: {  	_ =	shalt  }
0x48: {  	_ =	shalt  }
0x49: {  	_ =	shalt  }
0x4a: {  	_ =	shalt  }
0x4b: {  	_ =	shalt  }
0x4c: {  	_ =	shalt  }
0x4d: {  	_ =	shalt  }
0x4e: {  	_ =	shalt  }
0x4f: {  	_ =	shalt  }
0x50: {  	_ =	shalt  }
0x51: {  	_ =	shalt  }
0x52: {  	_ =	shalt  }
0x53: {  	_ =	shalt  }
0x54: {  	_ =	shalt  }
0x55: {  	_ =	shalt  }
0x56: {  	_ =	shalt  }
0x57: {  	_ =	shalt  }
0x58: {  	_ =	shalt  }
0x59: {  	_ =	shalt  }
0x5a: {  	_ =	shalt  }
0x5b: {  	_ =	shalt  }
0x5c: {  	_ =	shalt  }
0x5d: {  	_ =	shalt  }
0x5e: {  	_ =	shalt  }
0x5f: {  	_ =	shalt  }
0x60: {  	_ =	shalt  }
0x61: {  	_ =	shalt  }
0x62: {  	_ =	shalt  }
0x63: {  	_ =	shalt  }
0x64: {  	_ =	shalt  }
0x65: {  	_ =	shalt  }
0x66: {  	_ =	shalt  }
0x67: {  	_ =	shalt  }
0x68: {  	_ =	shalt  }
0x69: {  	_ =	shalt  }
0x6a: {  	_ =	shalt  }
0x6b: {  	_ =	shalt  }
0x6c: {  	_ =	shalt  }
0x6d: {  	_ =	shalt  }
0x6e: {  	_ =	shalt  }
0x6f: {  	_ =	shalt  }
0x70: {  	_ =	shalt  }
0x71: {  	_ =	shalt  }
0x72: {  	_ =	shalt  }
0x73: {  	_ =	shalt  }
0x74: {  	_ =	shalt  }
0x75: {  	_ =	shalt  }
0x76: {  	_ =	shalt  }
0x77: {  	_ =	shalt  }
0x78: {  	_ =	shalt  }
0x79: {  	_ =	shalt  }
0x7a: {  	_ =	shalt  }
0x7b: {  	_ =	shalt  }
0x7c: {  	_ =	shalt  }
0x7d: {  	_ =	shalt  }
0x7e: {  	_ =	shalt  }
0x7f: {  	_ =	shalt  }
0x80: {  	_ =	shalt  }
0x81: {  	_ =	shalt  }
0x82: {  	_ =	shalt  }
0x83: {  	_ =	shalt  }
0x84: {  	_ =	shalt  }
0x85: {  	_ =	shalt  }
0x86: {  	_ =	shalt  }
0x87: {  	_ =	shalt  }
.Lfunc_end0:
.L_simem_size_0:
called_computation.3_lowered:
.L_overlay_start_0:
0x88: {  	s2 =	sld [smem:$0x3FD9]  }
0x89: {  	s3 =	sld [smem:$0x3FFE];
	_ =	sdelay $0x1  }
0x8a: {  	s1 =	srdreg.scid  }
0x8b: {  	s0 =	sand.u32 $0x1, s1  }
0x8c: {  	s17 =	sshll.u32 s0, $0xA;
	s2 =	sadd.s32 s3, s2  }
0x8d: {  	s2 =	sadd.s32 s2, s17  }
0x8e: {  	[smem:$0x3FBE] =	sst s2  }
0x8f: {  	_ = 	snop  }
0x90: {  	s2 =	sld [smem:$0x3FD0];
	(tm) =	ssettm $0x1  }
0x91: {  	s18 =	sld [smem:$0x3FFB];
	_ =	sdelay $0x3  }
0x92: {  	_ =	strace s18  }
0x93: {  	s3 =	sld [smem:$0x3FFC];
	_ =	sdelay $0x3  }
0x94: {  	_ =	strace s3  }
0x95: {  	s3 =	sld [smem:$0x3FFD];
	_ =	sdelay $0x3  }
0x96: {  	_ =	strace s3  }
0x97: {  	_ =	strace $0x8FFFFFFF  }
0x98: {  	s19 =	sld [smem:$0x3FDB];
	_ =	sdelay $0x1  }
0x99: {  	s4 =	simm.s32 $_scs_section_size  }
0x9a: {  	s5 =	simm.s32 $_size__tile_overlayer_lowered;
	s6 =	simm.s32 $_tile_overlayer_lowered  }
0x9b: {  	s22 =	simm.s32 $0x1BFF;
	s21 =	sshll.u32 s6, $0x1;
	s3 =	sadd.s32 s4, s19  }
0x9c: {  	s7 =	simm.s32 $0x0;
	s20 =	sshll.u32 s5, $0x1;
	s5 =	sadd.s32 s21, s3  }
0x9d: {  	[timem:s7], [sflag:s22] =	dma.local [hbm:s5], s20  }
0x9e: {  	_ =	swait.ge [sflag:s22], s20  }
0x9f: {  	s4 =	ssub.s32 $0x0, s20;
	[sflag:s22] =	ssyncset.done $0x0  }
0xa0: {  	[sflag:s22] =	ssyncadd.s32 s4;
	_ =	sdelay $0x1  }
0xa1: {  	s23 =	simm.s32 $0x1B8B  }
0xa2: {  	_ =	swait.ge [sflag:s23], $0x1  }
0xa3: {  	[sflag:s23] =	ssyncset.done $0x0  }
0xa4: {  	s25 =	simm.s32 $0x1B8E;
	s24 =	sld [smem:$0x3FFE];
	[sflag:s23] =	ssyncadd.s32 $0xFFFFFFFF  }
0xa5: {  	s26 =	simm.s32 $execute0_lowered;
	[smem:$0x3FD2] =	sst s25  }
0xa6: {  	s5 =	sshll.u32 s26, $0x1;
	_ =	strace $0x8000004F;
	[dreg:$0x1] =	wrdreg $0xFFFFFFFF  }
0xa7: {  	s28 =	simm.s32 $_size_execute0_lowered;
	s3 =	sadd.s32 s3, s5;
	[dreg:$0x0] =	wrdreg $0x0  }
0xa8: {  	s5 =	sshll.u32 s28, $0x1;
	[dreg:$0x2] =	wrdreg s3  }
0xa9: {  	[dreg:$0x3] =	wrdreg s5  }
0xaa: {  	[dreg:$0x4] =	wrdreg $0xC0  }
0xab: {  	_ =	task [dreg:s7], $0x5FFFF  }
0xac: {  	[dreg:$0x1] =	wrdreg $0xFFFFFFFF  }
0xad: {  	[dreg:$0x0] =	wrdreg $0x60  }
0xae: {  	[dreg:$0x2] =	wrdreg s24  }
0xaf: {  	[dreg:$0x3] =	wrdreg s2  }
0xb0: {  	[dreg:$0x4] =	wrdreg $0x90000  }
0xb1: {  	[dreg:$0x5] =	wrdreg $0x9  }
0xb2: {  	_ =	task.clear_ibuf [dreg:s7], $0x6FFFF;
	_ =	strace $0x9000004F  }
0xb3: {  	s29 =	simm.s32 $0x9;
	_ =	strace $0x80000051  }
0xb4: {  	_ =	swait.ge [sflag:s29], $0x1  }
0xb5: {  	[sflag:s29] =	ssyncadd.s32 $0xFFFFFFFF  }
0xb6: {  	_ =	strace $0x90000051  }
0xb7: {  	_ =	sfence  }
0xb8: {  	s30 =	sld [smem:$0x0];
	_ =	sdelay $0x2  }
0xb9: {  	s31 =	sshll.u32 s1, $0xD;
	s1 =	sshrl.u32 s1, $0x2  }
0xba: {  	s3 =	sand.u32 $0x4000, s31;
	s1 =	sadd.s32 s1, s30  }
0xbb: {  	s0 =	sor.u32 s3, s0;
	s1 =	sshll.u32 s1, $0x11  }
0xbc: {  	s0 =	sor.u32 s1, s0  }
0xbd: {  	s0 =	sadd.s32 $0x8F2B, s0  }
0xbe: {  	[sflag:s0] =	ssyncadd.remote.s32 $0x1  }
0xbf: {  	_ =	sfence.sel $0xFFFF  }
0xc0: {  	[dreg:$0x0] =	wrdreg $0xFFFFFFFF;
	(pc) =	sbr.abs _section_cstart, $3  }
0xc1: {  	[dreg:$0x1] =	wrdreg $0xFFFFFFFF  }
0xc2: {  	_ =	task.clear_ibuf [dreg:s7], $0x2FFFF;
	_ =	strace $0x9FFFFFFF  }
0xc3: {  	(tm) =	ssettm $0x7FFFFFFF  }
tec
execute0_lowered:
.L_overlay_start_1:
0x0: {  	(tag) =	ssettag $0x1  }
0x1: {  	s6 =	rddreg [dreg:$0x0]  }
0x2: {  	s7 =	rddreg [dreg:$0x1]  }
0x3: {  	s0 =	srdreg.scid;
	s2 =	rddreg [dreg:$0x2]  }
0x4: {  	s3 =	simm.s32 $0x0;
	s14 =	simm.s32 $0x80;
	s15 =	simm.s32 $0x5000  }
0x5: {  	s16 =	simm.s32 $0x1;
	s5 =	sand.u32 $0x1, s0;
	s0 =	stileid.u32  }
0x6: {  	s17 =	simm.s32 $0x0;
	[smem:$0x7FF] =	sst s3;
	s9 =	smul.u32 $0x140000, s5  }
0x7: {  	s4 =	sadd.s32 $0x11E00, s6;
	s1 =	sshll.u32 s5, $0x4;
	s10 =	smul.u32 $0x14000, s0  }
0x8: {  	s29 =	ssub.s32 $0x2, s5;
	s13 =	smul.u32 $0x50000, s0;
	s5 =	sadd.s32 $0xF600, s6  }
0x9: {  	s31 =	sshll.u32 s0, $0x6;
	s1 =	sor.u32 s0, s1;
	s12 =	sshrl.u32 s29, $0x1  }
0xa: {  	s8 =	smul.u32 $0x500, s1;
	s1 =	rddreg [dreg:$0x3];
	_ =	strace $0x80000050  }
0xb: {  	s9 =	sadd.s32 s10, s9;
	s10 =	ssub.s32 s29, s12;
	s30 =	sshrl.u32 s13, $0x2  }
0xc: {  	s12 =	sor.u32 $0x1C02, s31;
	s9 =	sshrl.u32 s9, $0x3;
	s13 =	sadd.s32 s30, s2  }
0xd: {  	s11 =	sadd.s32 s8, s6;
	s9 =	sadd.s32 s9, s6;
	s7 =	sadd.s32 s7, s8  }
0xe: {  	s13 =	sshrl.u32 s13, $0x3;
	s6 =	sadd.s32 $0x5600, s11;
	s8 =	sadd.s32 $0x61E00, s9  }
0xf: {  	s9 =	smax.u32 s10, $0x1;
	s10 =	simm.s32 $0x2;
	s11 =	simm.s32 $0x2800  }
.LBB2_1:
0x10: {  	[tilespmem:s3], [sflag:$0x2] =	stream.linear.gather [hbm4b:s6+s3], $0x2780, $0x38;
	[tilespmem:$0x1D000] =	vst v63  }
0x11: {  	_ =	swait.ge [sflag:s10], $0x2780  }
0x12: {  	[sflag:s10] =	ssyncset.done $0x0  }
0x13: {  	[sflag:s10] =	ssyncadd.s32 $0xFFFFD880  }
0x14: {  	[tilespmem:s11], [sflag:$0x2] =	stream.linear.gather [hbm4b:s7+s3], $0x2780, $0x38;
	[tilespmem:$0x1D000] =	vst v63  }
0x15: {  	_ =	swait.ge [sflag:s10], $0x2780  }
0x16: {  	[sflag:s10] =	ssyncset.done $0x0  }
0x17: {  	[sflag:s10] =	ssyncadd.s32 $0xFFFFD880  }
0x18: {  	[spmem:s13], [sflag:s12] =	dma.local [hbm:s5], $0x2800  }
0x19: {  	_ =	swait.ge [sflag:s10], $0x2800  }
0x1a: {  	[sflag:s10] =	ssyncset.done $0x0  }
0x1b: {  	[sflag:s10] =	ssyncadd.s32 $0xFFFFD800  }
0x1c: {  	s18 =	simm.s32 $0x0;
	[bflag:$0x0] =	sbarrier.arrive $0xFFFF  }
0x1d: {  	[tilespmem:s15], [sflag:$0x1] =	stream.indirect.gather [hbm4b:s4+s14], $0x80, s18, s14, $0xb8;
	[tilespmem:$0x1D000] =	vst v63  }
0x1e: {  	_ =	swait.ge [sflag:s16], $0x4000  }
0x1f: {  	[sflag:s16] =	ssyncset.done $0x0  }
0x20: {  	s31 =	simm.s32 $0x2800;
	[sflag:s16] =	ssyncadd.s32 $0xFFFFC000  }
0x21: {  	[spmem:s2] =	stream.indirect.scatter.add.f32 [tilespmem:s15], [sflag:$0x2], $0x80, s31, s14, $0xb8;
	[tilespmem:$0x1D000] =	vst v63  }
0x22: {  	_ =	swait.ge [sflag:s10], $0x4000  }
0x23: {  	s19 =	simm.s32 $0x400;
	s18 =	simm.s32 $0x200;
	[sflag:s10] =	ssyncset.done $0x0  }
.LBB2_2:
0x24: {  	s20 =	sshra.s32 s18, $0x2  }
0x25: {  	[sflag:s10] =	ssyncadd.s32 $0xFFFFC000;
	s18 =	smov.u32 s19;
	s21 =	sadd.s32 $0x200, s19  }
0x26: {  	[tilespmem:s15], [sflag:$0x1] =	stream.indirect.gather [hbm4b:s4+s14], $0x80, s20, s14, $0xb8;
	[tilespmem:$0x1D000] =	vst v63  }
0x27: {  	p0 =	sne.s32 s19, $0x9C00;
	_ =	swait.ge [sflag:s16], $0x4000  }
.Ltmp0:
0x28: {  	[sflag:s16] =	ssyncset.done $0x0;
	(pc) =	sbr.rel @p0 .LBB2_2-.Ltmp0, $4  }
0x29: {  	s19 =	sadd.s32 $0x2800, s20;
	[sflag:s16] =	ssyncadd.s32 $0xFFFFC000  }
0x2a: {  	[spmem:s2] =	stream.indirect.scatter.add.f32 [tilespmem:s15], [sflag:$0x2], $0x80, s19, s14, $0xb8;
	[tilespmem:$0x1D000] =	vst v63  }
0x2b: {  	_ =	swait.ge [sflag:s10], $0x4000  }
0x2c: {  	s19 =	smov.u32 s21;
	[sflag:s10] =	ssyncset.done $0x0  }
0x2d: {  	s18 =	sshra.s32 s18, $0x2;
	[sflag:s10] =	ssyncadd.s32 $0xFFFFC000  }
0x2e: {  	[tilespmem:s15], [sflag:$0x1] =	stream.indirect.gather [hbm4b:s4+s14], $0x80, s18, s14, $0xb8;
	[tilespmem:$0x1D000] =	vst v63  }
0x2f: {  	_ =	swait.ge [sflag:s16], $0x4000  }
0x30: {  	[sflag:s16] =	ssyncset.done $0x0  }
0x31: {  	s18 =	sadd.s32 $0x2800, s18;
	[sflag:s16] =	ssyncadd.s32 $0xFFFFC000  }
0x32: {  	[spmem:s2] =	stream.indirect.scatter.add.f32 [tilespmem:s15], [sflag:$0x2], $0x80, s18, s14, $0xb8;
	[tilespmem:$0x1D000] =	vst v63  }
0x33: {  	_ =	swait.ge [sflag:s10], $0x4000  }
0x34: {  	[sflag:s10] =	ssyncset.done $0x0  }
0x35: {  	s17 =	sadd.s32 $0x1, s17;
	[sflag:s10] =	ssyncadd.s32 $0xFFFFC000  }
0x36: {  	p0 =	sne.s32 s17, s9;
	[bflag:$0x0] =	sbarrier.arrive $0xFFFF  }
0x37: {  	[hbm:s8], [sflag:s12] =	dma.local [spmem:s13], $0x2800  }
.Ltmp1:
0x38: {  	_ =	swait.ge [sflag:s10], $0x2800;
	(pc) =	sbr.rel @p0 .LBB2_1-.Ltmp1, $3  }
0x39: {  	[sflag:s10] =	ssyncset.done $0x0  }
0x3a: {  	[sflag:s10] =	ssyncadd.s32 $0xFFFFD800  }
0x3b: {  	[bflag:$0x0] =	sbarrier.arrive $0xFFFF;
	_ =	sdelay $0x1  }
0x3c: {  	_ =	sfence.sel $0x180000  }
0x3d: {  	[bflag:$0x0] =	sbarrier.arrive $0xFFFF  }
0x3e: {  	p0 =	sne.s32 s0, $0x0;
	_ =	strace $0x90000050  }
0x3f: {  	s0 =	sadd.s32 @!p0 $0x100000, s1;
	[bflag:$0x2] =	sbarrier.arrive $0xFFFF  }
0x40: {  	[sflag:s0] =	ssyncadd.tile.s32 @!p0 $0x1;
	_ =	shalt  }
.Lfunc_end2:
_tile_overlayer_lowered:
.L_overlay_start_2:
0x41: {  	(tag) =	ssettag $0x2  }
0x42: {  	s0 =	rddreg [dreg:$0x0];
	s2 =	stileid.u32  }
0x43: {  	s1 =	rddreg [dreg:$0x1];
	p0 =	sne.s32 s2, $0x0  }
0x44: {  	s3 =	rddreg [dreg:$0x2];
	[bflag:$0x3] =	sbarrier.arrive $0xFFFF;
	s2 =	simm.s32 @!p0 $0x1C02  }
0x45: {  	[timem:s3], [sflag:s2] =	dma.local @!p0 [hbm:s0], s1  }
0x46: {  	s0 =	simm.s32 @!p0 $0x2  }
0x47: {  	_ =	swait.ge @!p0 [sflag:s0], s1  }
0x48: {  	s1 =	ssub.s32 @!p0 $0x0, s1;
	[sflag:s0] =	ssyncset.done @!p0 $0x0  }
0x49: {  	[sflag:s0] =	ssyncadd.s32 @!p0 s1  }
0x4a: {  	[bflag:$0x3] =	sbarrier.arrive $0xFFFF  }
0x4b: {  	_ =	shalt  }

</sc_bundles>
